<compile_context>
chip_gen: v7x
topology: tpu7x:2x2x1
jax: 0.10.2.dev20260603
libtpu: 0.0.44.dev20260713+nightly
codegen_flags: <defaults>
</compile_context>

<pallas_src>
import jax
import jax.numpy as jnp
from jax import lax
from jax.experimental import pallas as pl
from jax.experimental.pallas import tpu as pltpu
from jax.experimental.pallas import tpu_sc as plsc

N = 10000
E = 320000
D = 128
H = 8
HD = D // H
NUM_EDGE_TYPES = 8
SCALE = HD ** (-0.5)

NC = 2
NS = 16
HH = H // NC
DH = HH * HD
EPS = E // NS
BATCH = 80
NBATCH = EPS // BATCH
ACCW = 80
NPAD = 10240
RPS = NPAD // NS
CHUNK = 80
LANES = 16

_GATHER_DNUMS = lax.GatherDimensionNumbers(
    offset_dims=(), collapsed_slice_dims=(0,), start_index_map=(0,))


def _bcast_lane(vec, lane):
    idx = jnp.full((LANES, 1), lane, jnp.int32)
    return lax.gather(vec, idx, _GATHER_DNUMS, (1,),
                      mode=lax.GatherScatterMode.PROMISE_IN_BOUNDS)


def _sc_edge_body(qh_hbm, kvh_hbm, src_hbm, dst_hbm, et_hbm, bias_hbm, acc_out,
                  srcv, dstv, etv, qbuf, kvbuf, msgbuf, biasv, stage, acc_sp,
                  sem_q, sem_kv):
    c = lax.axis_index("c")
    s = lax.axis_index("s")
    base = s * EPS
    rowoff = c * N

    iota = lax.broadcasted_iota(jnp.int32, (LANES,), 0)
    zeros16 = jnp.zeros((LANES,), jnp.float32)
    idx15 = jnp.full((LANES,), 15, jnp.int32)

    pltpu.sync_copy(bias_hbm, biasv)
    brows = []
    for t in range(NUM_EDGE_TYPES):
        braw = biasv[pl.ds(t * LANES + c * H, LANES)]
        brows.append(jnp.where(iota < HH, braw, 0.0))

    def _zrow(r, _):
        for j in range(ACCW // LANES):
            stage[r, pl.ds(j * LANES, LANES)] = zeros16
        return ()
    lax.fori_loop(0, CHUNK, _zrow, ())

    row0 = s * RPS
    for j in range(RPS // CHUNK):
        pltpu.sync_copy(stage, acc_sp.at[pl.ds(row0 + j * CHUNK, CHUNK)])
    plsc.subcore_barrier()
    n_drain = jnp.minimum((N - jnp.minimum(row0, N)) // CHUNK, RPS // CHUNK)

    def _edge(i, _):
        tvec = etv[pl.ds(i, LANES)]
        t_b = _bcast_lane(tvec, 0)
        brow = zeros16
        for t in range(NUM_EDGE_TYPES):
            brow = jnp.where(t_b == t, brows[t], brow)
        dots = zeros16
        for h in range(HH):
            q = qbuf[i, pl.ds(h * HD, LANES)]
            k = kvbuf[i, pl.ds(h * HD, LANES)]
            csum = plsc.cumsum(q * k)
            tot = lax.gather(csum, jnp.reshape(idx15, (LANES, 1)),
                             _GATHER_DNUMS, (1,),
                             mode=lax.GatherScatterMode.PROMISE_IN_BOUNDS)
            dots = jnp.where(iota == h, tot, dots)
        w = jnp.exp(dots * SCALE + brow)
        w = jnp.where(iota < HH, w, 0.0)
        msgbuf[i, pl.ds(DH, LANES)] = w
        for h in range(HH):
            wb = _bcast_lane(w, h)
            v = kvbuf[i, pl.ds(DH + h * HD, LANES)]
            msgbuf[i, pl.ds(h * HD, LANES)] = wb * v
        return ()

    def _batch(b, _):
        eb = base + b * BATCH
        pltpu.sync_copy(src_hbm.at[pl.ds(eb, BATCH)], srcv)
        pltpu.sync_copy(dst_hbm.at[pl.ds(eb, BATCH)], dstv)
        pltpu.sync_copy(et_hbm.at[pl.ds(eb, BATCH)], etv.at[pl.ds(0, BATCH)])
        for j in range(BATCH // LANES):
            sl = pl.ds(j * LANES, LANES)
            srcv[sl] = srcv[sl] + rowoff
            dstv[sl] = dstv[sl] + rowoff
        cp_q = pltpu.async_copy(qh_hbm.at[dstv], qbuf, sem_q)
        cp_kv = pltpu.async_copy(kvh_hbm.at[srcv], kvbuf, sem_kv)
        cp_q.wait()
        cp_kv.wait()
        lax.fori_loop(0, BATCH, _edge, ())
        for j in range(BATCH // LANES):
            sl = pl.ds(j * LANES, LANES)
            dstv[sl] = dstv[sl] - rowoff
        pltpu.sync_copy(msgbuf, acc_sp.at[dstv], add=True)
        return ()

    lax.fori_loop(0, NBATCH, _batch, ())

    plsc.subcore_barrier()

    def _drain(j, _):
        r = row0 + j * CHUNK
        pltpu.sync_copy(acc_sp.at[pl.ds(r, CHUNK)], stage)
        pltpu.sync_copy(stage, acc_out.at[c, pl.ds(r, CHUNK)])
        return ()

    lax.fori_loop(0, n_drain, _drain, ())


def _sc_edge_call(qh, kvh, src, dst, et, bias_pad):
    mesh = plsc.VectorSubcoreMesh(core_axis_name="c", subcore_axis_name="s")
    fn = pl.kernel(
        _sc_edge_body,
        out_type=jax.ShapeDtypeStruct((NC, N, ACCW), jnp.float32),
        mesh=mesh,
        compiler_params=pltpu.CompilerParams(
            needs_layout_passes=False, use_tc_tiling_on_sc=False),
        scratch_types=[
            pltpu.VMEM((BATCH,), jnp.int32),
            pltpu.VMEM((BATCH,), jnp.int32),
            pltpu.VMEM((BATCH + LANES,), jnp.int32),
            pltpu.VMEM((BATCH, DH), jnp.float32),
            pltpu.VMEM((BATCH, 2 * DH), jnp.float32),
            pltpu.VMEM((BATCH, ACCW), jnp.float32),
            pltpu.VMEM((NUM_EDGE_TYPES * LANES + LANES,), jnp.float32),
            pltpu.VMEM((CHUNK, ACCW), jnp.float32),
            pltpu.VMEM_SHARED((NPAD, ACCW), jnp.float32),
            pltpu.SemaphoreType.DMA,
            pltpu.SemaphoreType.DMA,
        ],
    )
    return fn(qh, kvh, src, dst, et, bias_pad)


RB = 2000


def _qkv_body(x_ref, wq_ref, wk_ref, wv_ref, bq_ref, bk_ref, bv_ref,
              q_ref, kv_ref):
    xb = x_ref[...]
    qb = jnp.dot(xb, wq_ref[...], preferred_element_type=jnp.float32) + bq_ref[...]
    kb = jnp.dot(xb, wk_ref[...], preferred_element_type=jnp.float32) + bk_ref[...]
    vb = jnp.dot(xb, wv_ref[...], preferred_element_type=jnp.float32) + bv_ref[...]
    q_ref[0] = qb[:, :DH]
    q_ref[1] = qb[:, DH:]
    kv_ref[0, :, :DH] = kb[:, :DH]
    kv_ref[0, :, DH:] = vb[:, :DH]
    kv_ref[1, :, :DH] = kb[:, DH:]
    kv_ref[1, :, DH:] = vb[:, DH:]


def _qkv_call(x, Wq, Wk, Wv, bq, bk, bv):
    full = lambda s: pl.BlockSpec(s, lambda i: (0,) * len(s))
    return pl.pallas_call(
        _qkv_body,
        grid=(N // RB,),
        in_specs=[
            pl.BlockSpec((RB, D), lambda i: (i, 0)),
            full((D, D)), full((D, D)), full((D, D)),
            full((1, D)), full((1, D)), full((1, D)),
        ],
        out_specs=[
            pl.BlockSpec((NC, RB, DH), lambda i: (0, i, 0)),
            pl.BlockSpec((NC, RB, 2 * DH), lambda i: (0, i, 0)),
        ],
        out_shape=[
            jax.ShapeDtypeStruct((NC, N, DH), jnp.float32),
            jax.ShapeDtypeStruct((NC, N, 2 * DH), jnp.float32),
        ],
    )(x, Wq, Wk, Wv, bq.reshape(1, D), bk.reshape(1, D), bv.reshape(1, D))


def _layer_norm(h, g, b):
    mu = jnp.mean(h, axis=-1, keepdims=True)
    var = jnp.mean((h - mu) ** 2, axis=-1, keepdims=True)
    return (h - mu) / jnp.sqrt(var + 1e-5) * g + b


def _post_body(acc_ref, x_ref, wo_ref, bo_ref, w1_ref, b1_ref, w2_ref, b2_ref,
               g1_ref, beta1_ref, g2_ref, beta2_ref, out_ref):
    a0 = acc_ref[0]
    a1 = acc_ref[1]
    num = jnp.concatenate([a0[:, :DH], a1[:, :DH]], axis=1)
    den = jnp.concatenate([a0[:, DH:DH + HH], a1[:, DH:DH + HH]], axis=1)
    cols = lax.broadcasted_iota(jnp.int32, (H, D), 1) // HD
    rows = lax.broadcasted_iota(jnp.int32, (H, D), 0)
    expand = (cols == rows).astype(jnp.float32)
    srep = jnp.dot(den, expand, preferred_element_type=jnp.float32)
    attn_out = num / (srep + 1e-16)
    o = jnp.dot(attn_out, wo_ref[...],
                preferred_element_type=jnp.float32) + bo_ref[...]
    x1 = _layer_norm(x_ref[...] + o, g1_ref[...], beta1_ref[...])
    z = jnp.dot(x1, w1_ref[...], preferred_element_type=jnp.float32) + b1_ref[...]
    gz = 0.5 * z * (1.0 + lax.erf(z * (2.0 ** -0.5)))
    h2 = jnp.dot(gz, w2_ref[...], preferred_element_type=jnp.float32) + b2_ref[...]
    out_ref[...] = _layer_norm(x1 + h2, g2_ref[...], beta2_ref[...])


def _post_call(acc, x, Wo, bo, W1, b1, W2, b2, g1, beta1, g2, beta2):
    full = lambda s: pl.BlockSpec(s, lambda i: (0,) * len(s))
    vec = full((1, D))
    return pl.pallas_call(
        _post_body,
        grid=(N // RB,),
        in_specs=[
            pl.BlockSpec((NC, RB, ACCW), lambda i: (0, i, 0)),
            pl.BlockSpec((RB, D), lambda i: (i, 0)),
            full((D, D)), vec, full((D, D)), vec, full((D, D)), vec,
            vec, vec, vec, vec,
        ],
        out_specs=pl.BlockSpec((RB, D), lambda i: (i, 0)),
        out_shape=jax.ShapeDtypeStruct((N, D), jnp.float32),
    )(acc, x, Wo, bo.reshape(1, D), W1, b1.reshape(1, D), W2, b2.reshape(1, D),
      g1.reshape(1, D), beta1.reshape(1, D), g2.reshape(1, D),
      beta2.reshape(1, D))


def kernel(x, edge_index, edge_type, Wq, bq, Wk, bk, Wv, bv, Wo, bo,
           edge_bias, W1, b1, W2, b2, g1, beta1, g2, beta2):
    qh, kvh = _qkv_call(x, Wq, Wk, Wv, bq, bk, bv)
    qh = qh.reshape(NC * N, DH)
    kvh = kvh.reshape(NC * N, 2 * DH)
    src = edge_index[0]
    dst = edge_index[1]
    bias_pad = jnp.pad(edge_bias.reshape(NUM_EDGE_TYPES, NC, 1, HH),
                       ((0, 0), (0, 0), (0, 1), (0, 0))).reshape(-1)
    bias_pad = jnp.pad(bias_pad, (0, LANES))
    acc = _sc_edge_call(qh, kvh, src, dst, edge_type, bias_pad)
    return _post_call(acc, x, Wo, bo, W1, b1, W2, b2, g1, beta1, g2, beta2)

# --- scband reference (transcript-rebuilt; emitter-appended) ---
"""Pipeline reference for scband-graph-transformer-layer-70042326663856 (READ-ONLY COPY).

The authoritative reference and input builder live on the scoring server;
editing this copy changes nothing except your own understanding.
"""

import jax, jax.numpy as jnp
import numpy as np

N = 10000
E = 320000
D = 128
H = 8
HD = D // H
NUM_EDGE_TYPES = 8
SCALE = HD ** (-0.5)


def _layer_norm(x, g, b, eps=1e-5):
    mu = jnp.mean(x, axis=-1, keepdims=True)
    var = jnp.mean((x - mu) ** 2, axis=-1, keepdims=True)
    return (x - mu) / jnp.sqrt(var + eps) * g + b


def _segment_softmax(attn, dst, num_nodes):
    m = jax.ops.segment_max(attn, dst, num_segments=num_nodes)
    m = jnp.where(jnp.isfinite(m), m, 0.0)
    e = jnp.exp(attn - m[dst])
    s = jax.ops.segment_sum(e, dst, num_segments=num_nodes)
    return e / (s[dst] + 1e-16)


def setup_inputs(seed: int = 0) -> dict:
    key = jax.random.key(seed)
    ks = jax.random.split(key, 24)
    std = 0.02
    inp = {}
    inp["x"] = jax.random.normal(ks[0], (N, D), dtype=jnp.float32)
    inp["edge_index"] = jax.random.randint(ks[1], (2, E), 0, N, dtype=jnp.int32)
    inp["edge_type"] = jax.random.randint(ks[2], (E,), 0, NUM_EDGE_TYPES, dtype=jnp.int32)
    inp["Wq"] = jax.random.normal(ks[3], (D, D), jnp.float32) * std
    inp["bq"] = jnp.zeros((D,), jnp.float32)
    inp["Wk"] = jax.random.normal(ks[4], (D, D), jnp.float32) * std
    inp["bk"] = jnp.zeros((D,), jnp.float32)
    inp["Wv"] = jax.random.normal(ks[5], (D, D), jnp.float32) * std
    inp["bv"] = jnp.zeros((D,), jnp.float32)
    inp["Wo"] = jax.random.normal(ks[6], (D, D), jnp.float32) * std
    inp["bo"] = jnp.zeros((D,), jnp.float32)
    inp["edge_bias"] = jax.random.normal(ks[7], (NUM_EDGE_TYPES, H), jnp.float32) * std
    inp["W1"] = jax.random.normal(ks[8], (D, D), jnp.float32) * std
    inp["b1"] = jnp.zeros((D,), jnp.float32)
    inp["W2"] = jax.random.normal(ks[9], (D, D), jnp.float32) * std
    inp["b2"] = jnp.zeros((D,), jnp.float32)
    inp["g1"] = jnp.ones((D,), jnp.float32)
    inp["beta1"] = jnp.zeros((D,), jnp.float32)
    inp["g2"] = jnp.ones((D,), jnp.float32)
    inp["beta2"] = jnp.zeros((D,), jnp.float32)
    return inp


def reference(x, edge_index, edge_type, Wq, bq, Wk, bk, Wv, bv, Wo, bo, edge_bias, W1, b1, W2, b2, g1, beta1, g2, beta2):
    n = x.shape[0]
    Q = (x @ Wq + bq).reshape(n, H, HD)
    K = (x @ Wk + bk).reshape(n, H, HD)
    V = (x @ Wv + bv).reshape(n, H, HD)
    src = edge_index[0]
    dst = edge_index[1]
    attn = jnp.sum(Q[dst] * K[src], axis=-1) * SCALE  # [E, H]
    attn = attn + edge_bias[edge_type]
    attn = _segment_softmax(attn, dst, n)
    msg = attn[:, :, None] * V[src]  # [E, H, HD]
    out = jax.ops.segment_sum(msg, dst, num_segments=n)  # [N, H, HD]
    out = out.reshape(n, D) @ Wo + bo
    x = _layer_norm(x + out, g1, beta1)
    h = jax.nn.gelu(x @ W1 + b1, approximate=False) @ W2 + b2
    x = _layer_norm(x + h, g2, beta2)
    return x

if __name__ == "__main__":
    import jax
    _d = setup_inputs()
    print(jax.jit(kernel)(*tuple(_d.values())))

</pallas_src>

<mosaic_0001>
#map = affine_map<(d0, d1) -> (0, 0)>
#map1 = affine_map<(d0, d1) -> (0)>
#map2 = affine_map<(d0, d1) -> (0, 0, 0)>
module attributes {stable_mosaic.version = 14 : i64} {
  func.func @_sc_edge_body(%arg0: i32, %arg1: i32, %arg2: memref<20000x64xf32, #tpu.memory_space<hbm>>, %arg3: memref<20000x128xf32, #tpu.memory_space<hbm>>, %arg4: memref<320000xi32, #tpu.memory_space<hbm>>, %arg5: memref<320000xi32, #tpu.memory_space<hbm>>, %arg6: memref<320000xi32, #tpu.memory_space<hbm>>, %arg7: memref<144xf32, #tpu.memory_space<hbm>>, %arg8: memref<2x10000x80xf32, #tpu.memory_space<hbm>>, %arg9: memref<80xi32, #tpu.memory_space<vmem>>, %arg10: memref<80xi32, #tpu.memory_space<vmem>>, %arg11: memref<96xi32, #tpu.memory_space<vmem>>, %arg12: memref<80x64xf32, #tpu.memory_space<vmem>>, %arg13: memref<80x128xf32, #tpu.memory_space<vmem>>, %arg14: memref<80x80xf32, #tpu.memory_space<vmem>>, %arg15: memref<144xf32, #tpu.memory_space<vmem>>, %arg16: memref<80x80xf32, #tpu.memory_space<vmem>>, %arg17: memref<10240x80xf32, #tpu.memory_space<vmem_shared>>, %arg18: memref<!tpu.dma_semaphore, #tpu.memory_space<semaphore_mem>>, %arg19: memref<!tpu.dma_semaphore, #tpu.memory_space<semaphore_mem>>) attributes {dimension_semantics = [#tpu.dimension_semantics<core_parallel>, #tpu.dimension_semantics<subcore_parallel>], iteration_bounds = array<i64: 2, 16>, scalar_prefetch = 0 : i64, scratch_operands = 11 : i64, tpu.core_type = #tpu.core_type<sc_vector_subcore>, window_params = [{transform_indices = #map}, {transform_indices = #map}, {transform_indices = #map1}, {transform_indices = #map1}, {transform_indices = #map1}, {transform_indices = #map1}, {transform_indices = #map2}]} {
    %mul3A = arith.constant 20000 : i32
    %mul3A_0 = arith.muli %arg1, %mul3A : i32
    %mul3A_1 = arith.constant 10000 : i32
    %mul3A_2 = arith.muli %arg0, %mul3A_1 : i32
    %iota3A = tpu.iota {dimensions = array<i32: 0>} : vector<16xi32>
    %broadcast_in_dim3A = arith.constant 0.000000e+00 : f32
    %broadcast_in_dim3A_3 = vector.broadcast %broadcast_in_dim3A : f32 to vector<16xf32>
    %broadcast_in_dim3A_4 = arith.constant 15 : i32
    %broadcast_in_dim3A_5 = vector.broadcast %broadcast_in_dim3A_4 : i32 to vector<16xi32>
    "tpu.region"() ({
      %run_scoped3A = tpu.sem_alloc : memref<!tpu.dma_semaphore, #tpu.memory_space<semaphore_mem>>
      tpu.enqueue_dma source(%arg7 : memref<144xf32, #tpu.memory_space<hbm>>) target(%arg15 : memref<144xf32, #tpu.memory_space<vmem>>) target_semaphore(%run_scoped3A : memref<!tpu.dma_semaphore, #tpu.memory_space<semaphore_mem>>)
      tpu.wait_dma2 semaphore(%run_scoped3A : memref<!tpu.dma_semaphore, #tpu.memory_space<semaphore_mem>>) src(%arg7 : memref<144xf32, #tpu.memory_space<hbm>>) dst(%arg15 : memref<144xf32, #tpu.memory_space<vmem>>)
      tpu.yield
    }) : () -> ()
    %mul3A_6 = arith.constant 8 : i32
    %mul3A_7 = arith.muli %arg0, %mul3A_6 : i32
    %add3A = arith.constant 0 : i32
    %add3A_8 = arith.addi %add3A, %mul3A_7 : i32
    %get3A = arith.index_cast %add3A_8 : i32 to index
    %get3A_9 = tpu.vector_load %arg15[%get3A] {strides = array<i32>} : memref<144xf32, #tpu.memory_space<vmem>>, vector<16xf32>,
    %lt3A = arith.constant 4 : i32
    %lt3A_10 = vector.broadcast %lt3A : i32 to vector<16xi32>
    %lt3A_11 = arith.cmpi slt, %iota3A, %lt3A_10 : vector<16xi32>
    %jit3A = arith.constant 0.000000e+00 : f32
    %broadcast_in_dim3A_12 = vector.broadcast %jit3A : f32 to vector<16xf32>
    %select_n3A = arith.select %lt3A_11, %get3A_9, %broadcast_in_dim3A_12 : vector<16xi1>, vector<16xf32>
    %mul3A_13 = arith.constant 8 : i32
    %mul3A_14 = arith.muli %arg0, %mul3A_13 : i32
    %add3A_15 = arith.constant 16 : i32
    %add3A_16 = arith.addi %add3A_15, %mul3A_14 : i32
    %get3A_17 = arith.index_cast %add3A_16 : i32 to index
    %get3A_18 = tpu.vector_load %arg15[%get3A_17] {strides = array<i32>} : memref<144xf32, #tpu.memory_space<vmem>>, vector<16xf32>,
    %lt3A_19 = arith.constant 4 : i32
    %lt3A_20 = vector.broadcast %lt3A_19 : i32 to vector<16xi32>
    %lt3A_21 = arith.cmpi slt, %iota3A, %lt3A_20 : vector<16xi32>
    %jit3A_22 = arith.constant 0.000000e+00 : f32
    %broadcast_in_dim3A_23 = vector.broadcast %jit3A_22 : f32 to vector<16xf32>
    %select_n3A_24 = arith.select %lt3A_21, %get3A_18, %broadcast_in_dim3A_23 : vector<16xi1>, vector<16xf32>
    %mul3A_25 = arith.constant 8 : i32
    %mul3A_26 = arith.muli %arg0, %mul3A_25 : i32
    %add3A_27 = arith.constant 32 : i32
    %add3A_28 = arith.addi %add3A_27, %mul3A_26 : i32
    %get3A_29 = arith.index_cast %add3A_28 : i32 to index
    %get3A_30 = tpu.vector_load %arg15[%get3A_29] {strides = array<i32>} : memref<144xf32, #tpu.memory_space<vmem>>, vector<16xf32>,
    %lt3A_31 = arith.constant 4 : i32
    %lt3A_32 = vector.broadcast %lt3A_31 : i32 to vector<16xi32>
    %lt3A_33 = arith.cmpi slt, %iota3A, %lt3A_32 : vector<16xi32>
    %jit3A_34 = arith.constant 0.000000e+00 : f32
    %broadcast_in_dim3A_35 = vector.broadcast %jit3A_34 : f32 to vector<16xf32>
    %select_n3A_36 = arith.select %lt3A_33, %get3A_30, %broadcast_in_dim3A_35 : vector<16xi1>, vector<16xf32>
    %mul3A_37 = arith.constant 8 : i32
    %mul3A_38 = arith.muli %arg0, %mul3A_37 : i32
    %add3A_39 = arith.constant 48 : i32
    %add3A_40 = arith.addi %add3A_39, %mul3A_38 : i32
    %get3A_41 = arith.index_cast %add3A_40 : i32 to index
    %get3A_42 = tpu.vector_load %arg15[%get3A_41] {strides = array<i32>} : memref<144xf32, #tpu.memory_space<vmem>>, vector<16xf32>,
    %lt3A_43 = arith.constant 4 : i32
    %lt3A_44 = vector.broadcast %lt3A_43 : i32 to vector<16xi32>
    %lt3A_45 = arith.cmpi slt, %iota3A, %lt3A_44 : vector<16xi32>
    %jit3A_46 = arith.constant 0.000000e+00 : f32
    %broadcast_in_dim3A_47 = vector.broadcast %jit3A_46 : f32 to vector<16xf32>
    %select_n3A_48 = arith.select %lt3A_45, %get3A_42, %broadcast_in_dim3A_47 : vector<16xi1>, vector<16xf32>
    %mul3A_49 = arith.constant 8 : i32
    %mul3A_50 = arith.muli %arg0, %mul3A_49 : i32
    %add3A_51 = arith.constant 64 : i32
    %add3A_52 = arith.addi %add3A_51, %mul3A_50 : i32
    %get3A_53 = arith.index_cast %add3A_52 : i32 to index
    %get3A_54 = tpu.vector_load %arg15[%get3A_53] {strides = array<i32>} : memref<144xf32, #tpu.memory_space<vmem>>, vector<16xf32>,
    %lt3A_55 = arith.constant 4 : i32
    %lt3A_56 = vector.broadcast %lt3A_55 : i32 to vector<16xi32>
    %lt3A_57 = arith.cmpi slt, %iota3A, %lt3A_56 : vector<16xi32>
    %jit3A_58 = arith.constant 0.000000e+00 : f32
    %broadcast_in_dim3A_59 = vector.broadcast %jit3A_58 : f32 to vector<16xf32>
    %select_n3A_60 = arith.select %lt3A_57, %get3A_54, %broadcast_in_dim3A_59 : vector<16xi1>, vector<16xf32>
    %mul3A_61 = arith.constant 8 : i32
    %mul3A_62 = arith.muli %arg0, %mul3A_61 : i32
    %add3A_63 = arith.constant 80 : i32
    %add3A_64 = arith.addi %add3A_63, %mul3A_62 : i32
    %get3A_65 = arith.index_cast %add3A_64 : i32 to index
    %get3A_66 = tpu.vector_load %arg15[%get3A_65] {strides = array<i32>} : memref<144xf32, #tpu.memory_space<vmem>>, vector<16xf32>,
    %lt3A_67 = arith.constant 4 : i32
    %lt3A_68 = vector.broadcast %lt3A_67 : i32 to vector<16xi32>
    %lt3A_69 = arith.cmpi slt, %iota3A, %lt3A_68 : vector<16xi32>
    %jit3A_70 = arith.constant 0.000000e+00 : f32
    %broadcast_in_dim3A_71 = vector.broadcast %jit3A_70 : f32 to vector<16xf32>
    %select_n3A_72 = arith.select %lt3A_69, %get3A_66, %broadcast_in_dim3A_71 : vector<16xi1>, vector<16xf32>
    %mul3A_73 = arith.constant 8 : i32
    %mul3A_74 = arith.muli %arg0, %mul3A_73 : i32
    %add3A_75 = arith.constant 96 : i32
    %add3A_76 = arith.addi %add3A_75, %mul3A_74 : i32
    %get3A_77 = arith.index_cast %add3A_76 : i32 to index
    %get3A_78 = tpu.vector_load %arg15[%get3A_77] {strides = array<i32>} : memref<144xf32, #tpu.memory_space<vmem>>, vector<16xf32>,
    %lt3A_79 = arith.constant 4 : i32
    %lt3A_80 = vector.broadcast %lt3A_79 : i32 to vector<16xi32>
    %lt3A_81 = arith.cmpi slt, %iota3A, %lt3A_80 : vector<16xi32>
    %jit3A_82 = arith.constant 0.000000e+00 : f32
    %broadcast_in_dim3A_83 = vector.broadcast %jit3A_82 : f32 to vector<16xf32>
    %select_n3A_84 = arith.select %lt3A_81, %get3A_78, %broadcast_in_dim3A_83 : vector<16xi1>, vector<16xf32>
    %mul3A_85 = arith.constant 8 : i32
    %mul3A_86 = arith.muli %arg0, %mul3A_85 : i32
    %add3A_87 = arith.constant 112 : i32
    %add3A_88 = arith.addi %add3A_87, %mul3A_86 : i32
    %get3A_89 = arith.index_cast %add3A_88 : i32 to index
    %get3A_90 = tpu.vector_load %arg15[%get3A_89] {strides = array<i32>} : memref<144xf32, #tpu.memory_space<vmem>>, vector<16xf32>,
    %lt3A_91 = arith.constant 4 : i32
    %lt3A_92 = vector.broadcast %lt3A_91 : i32 to vector<16xi32>
    %lt3A_93 = arith.cmpi slt, %iota3A, %lt3A_92 : vector<16xi32>
    %jit3A_94 = arith.constant 0.000000e+00 : f32
    %broadcast_in_dim3A_95 = vector.broadcast %jit3A_94 : f32 to vector<16xf32>
    %select_n3A_96 = arith.select %lt3A_93, %get3A_90, %broadcast_in_dim3A_95 : vector<16xi1>, vector<16xf32>
    %scan3A = arith.constant 0 : i32
    %scan3A_97 = arith.constant 80 : i32
    %scan3A_98 = arith.addi %scan3A, %scan3A_97 : i32
    %scan3A_99 = arith.constant 1 : i32
    scf.for %scan3A_156 = %scan3A to %scan3A_98 step %scan3A_99  : i32 {
      %swap3A = arith.index_cast %scan3A_156 : i32 to index
      %swap3A_157 = arith.constant 0 : index
      %swap3A_158 = tpu.vector_load %arg16[%swap3A, %swap3A_157] {strides = array<i32>} : memref<80x80xf32, #tpu.memory_space<vmem>>, vector<16xf32>,
      tpu.vector_store %arg16[%swap3A, %swap3A_157], %broadcast_in_dim3A_3 {strides = array<i32>} : memref<80x80xf32, #tpu.memory_space<vmem>>, vector<16xf32>,
      %swap3A_159 = arith.index_cast %scan3A_156 : i32 to index
      %swap3A_160 = arith.constant 16 : index
      %swap3A_161 = tpu.vector_load %arg16[%swap3A_159, %swap3A_160] {strides = array<i32>} : memref<80x80xf32, #tpu.memory_space<vmem>>, vector<16xf32>,
      tpu.vector_store %arg16[%swap3A_159, %swap3A_160], %broadcast_in_dim3A_3 {strides = array<i32>} : memref<80x80xf32, #tpu.memory_space<vmem>>, vector<16xf32>,
      %swap3A_162 = arith.index_cast %scan3A_156 : i32 to index
      %swap3A_163 = arith.constant 32 : index
      %swap3A_164 = tpu.vector_load %arg16[%swap3A_162, %swap3A_163] {strides = array<i32>} : memref<80x80xf32, #tpu.memory_space<vmem>>, vector<16xf32>,
      tpu.vector_store %arg16[%swap3A_162, %swap3A_163], %broadcast_in_dim3A_3 {strides = array<i32>} : memref<80x80xf32, #tpu.memory_space<vmem>>, vector<16xf32>,
      %swap3A_165 = arith.index_cast %scan3A_156 : i32 to index
      %swap3A_166 = arith.constant 48 : index
      %swap3A_167 = tpu.vector_load %arg16[%swap3A_165, %swap3A_166] {strides = array<i32>} : memref<80x80xf32, #tpu.memory_space<vmem>>, vector<16xf32>,
      tpu.vector_store %arg16[%swap3A_165, %swap3A_166], %broadcast_in_dim3A_3 {strides = array<i32>} : memref<80x80xf32, #tpu.memory_space<vmem>>, vector<16xf32>,
      %swap3A_168 = arith.index_cast %scan3A_156 : i32 to index
      %swap3A_169 = arith.constant 64 : index
      %swap3A_170 = tpu.vector_load %arg16[%swap3A_168, %swap3A_169] {strides = array<i32>} : memref<80x80xf32, #tpu.memory_space<vmem>>, vector<16xf32>,
      tpu.vector_store %arg16[%swap3A_168, %swap3A_169], %broadcast_in_dim3A_3 {strides = array<i32>} : memref<80x80xf32, #tpu.memory_space<vmem>>, vector<16xf32>,
    }
    %scan3A_100 = arith.constant 80 : i32
    %mul3A_101 = arith.constant 640 : i32
    %mul3A_102 = arith.muli %arg1, %mul3A_101 : i32
    %add3A_103 = arith.constant 0 : i32
    %add3A_104 = arith.addi %mul3A_102, %add3A_103 : i32
    "tpu.region"() ({
      %run_scoped3A = tpu.sem_alloc : memref<!tpu.dma_semaphore, #tpu.memory_space<semaphore_mem>>
      %dma_start3A = arith.constant 0 : i32
      %dma_start3A_156 = tpu.memref_slice %arg17[%add3A_104, %dma_start3A] : memref<10240x80xf32, #tpu.memory_space<vmem_shared>> -> memref<80x80xf32, #tpu.memory_space<vmem_shared>>
      %dma_start3A_157 = arith.constant 0 : i32
      %dma_start3A_158 = tpu.memref_slice %arg17[%add3A_104, %dma_start3A_157] : memref<10240x80xf32, #tpu.memory_space<vmem_shared>> -> memref<80x80xf32, #tpu.memory_space<vmem_shared>>
      tpu.enqueue_dma source(%arg16 : memref<80x80xf32, #tpu.memory_space<vmem>>) target(%dma_start3A_158 : memref<80x80xf32, #tpu.memory_space<vmem_shared>>) target_semaphore(%run_scoped3A : memref<!tpu.dma_semaphore, #tpu.memory_space<semaphore_mem>>)
      %dma_wait3A = arith.constant 0 : i32
      %dma_wait3A_159 = tpu.memref_slice %arg17[%add3A_104, %dma_wait3A] : memref<10240x80xf32, #tpu.memory_space<vmem_shared>> -> memref<80x80xf32, #tpu.memory_space<vmem_shared>>
      %dma_wait3A_160 = arith.constant 0 : i32
      %dma_wait3A_161 = tpu.memref_slice %arg17[%add3A_104, %dma_wait3A_160] : memref<10240x80xf32, #tpu.memory_space<vmem_shared>> -> memref<80x80xf32, #tpu.memory_space<vmem_shared>>
      tpu.wait_dma2 semaphore(%run_scoped3A : memref<!tpu.dma_semaphore, #tpu.memory_space<semaphore_mem>>) src(%arg16 : memref<80x80xf32, #tpu.memory_space<vmem>>) dst(%dma_wait3A_161 : memref<80x80xf32, #tpu.memory_space<vmem_shared>>)
      tpu.yield
    }) : () -> ()
    %add3A_105 = arith.constant 80 : i32
    %add3A_106 = arith.addi %mul3A_102, %add3A_105 : i32
    "tpu.region"() ({
      %run_scoped3A = tpu.sem_alloc : memref<!tpu.dma_semaphore, #tpu.memory_space<semaphore_mem>>
      %dma_start3A = arith.constant 0 : i32
      %dma_start3A_156 = tpu.memref_slice %arg17[%add3A_106, %dma_start3A] : memref<10240x80xf32, #tpu.memory_space<vmem_shared>> -> memref<80x80xf32, #tpu.memory_space<vmem_shared>>
      %dma_start3A_157 = arith.constant 0 : i32
      %dma_start3A_158 = tpu.memref_slice %arg17[%add3A_106, %dma_start3A_157] : memref<10240x80xf32, #tpu.memory_space<vmem_shared>> -> memref<80x80xf32, #tpu.memory_space<vmem_shared>>
      tpu.enqueue_dma source(%arg16 : memref<80x80xf32, #tpu.memory_space<vmem>>) target(%dma_start3A_158 : memref<80x80xf32, #tpu.memory_space<vmem_shared>>) target_semaphore(%run_scoped3A : memref<!tpu.dma_semaphore, #tpu.memory_space<semaphore_mem>>)
      %dma_wait3A = arith.constant 0 : i32
      %dma_wait3A_159 = tpu.memref_slice %arg17[%add3A_106, %dma_wait3A] : memref<10240x80xf32, #tpu.memory_space<vmem_shared>> -> memref<80x80xf32, #tpu.memory_space<vmem_shared>>
      %dma_wait3A_160 = arith.constant 0 : i32
      %dma_wait3A_161 = tpu.memref_slice %arg17[%add3A_106, %dma_wait3A_160] : memref<10240x80xf32, #tpu.memory_space<vmem_shared>> -> memref<80x80xf32, #tpu.memory_space<vmem_shared>>
      tpu.wait_dma2 semaphore(%run_scoped3A : memref<!tpu.dma_semaphore, #tpu.memory_space<semaphore_mem>>) src(%arg16 : memref<80x80xf32, #tpu.memory_space<vmem>>) dst(%dma_wait3A_161 : memref<80x80xf32, #tpu.memory_space<vmem_shared>>)
      tpu.yield
    }) : () -> ()
    %add3A_107 = arith.constant 160 : i32
    %add3A_108 = arith.addi %mul3A_102, %add3A_107 : i32
    "tpu.region"() ({
      %run_scoped3A = tpu.sem_alloc : memref<!tpu.dma_semaphore, #tpu.memory_space<semaphore_mem>>
      %dma_start3A = arith.constant 0 : i32
      %dma_start3A_156 = tpu.memref_slice %arg17[%add3A_108, %dma_start3A] : memref<10240x80xf32, #tpu.memory_space<vmem_shared>> -> memref<80x80xf32, #tpu.memory_space<vmem_shared>>
      %dma_start3A_157 = arith.constant 0 : i32
      %dma_start3A_158 = tpu.memref_slice %arg17[%add3A_108, %dma_start3A_157] : memref<10240x80xf32, #tpu.memory_space<vmem_shared>> -> memref<80x80xf32, #tpu.memory_space<vmem_shared>>
      tpu.enqueue_dma source(%arg16 : memref<80x80xf32, #tpu.memory_space<vmem>>) target(%dma_start3A_158 : memref<80x80xf32, #tpu.memory_space<vmem_shared>>) target_semaphore(%run_scoped3A : memref<!tpu.dma_semaphore, #tpu.memory_space<semaphore_mem>>)
      %dma_wait3A = arith.constant 0 : i32
      %dma_wait3A_159 = tpu.memref_slice %arg17[%add3A_108, %dma_wait3A] : memref<10240x80xf32, #tpu.memory_space<vmem_shared>> -> memref<80x80xf32, #tpu.memory_space<vmem_shared>>
      %dma_wait3A_160 = arith.constant 0 : i32
      %dma_wait3A_161 = tpu.memref_slice %arg17[%add3A_108, %dma_wait3A_160] : memref<10240x80xf32, #tpu.memory_space<vmem_shared>> -> memref<80x80xf32, #tpu.memory_space<vmem_shared>>
      tpu.wait_dma2 semaphore(%run_scoped3A : memref<!tpu.dma_semaphore, #tpu.memory_space<semaphore_mem>>) src(%arg16 : memref<80x80xf32, #tpu.memory_space<vmem>>) dst(%dma_wait3A_161 : memref<80x80xf32, #tpu.memory_space<vmem_shared>>)
      tpu.yield
    }) : () -> ()
    %add3A_109 = arith.constant 240 : i32
    %add3A_110 = arith.addi %mul3A_102, %add3A_109 : i32
    "tpu.region"() ({
      %run_scoped3A = tpu.sem_alloc : memref<!tpu.dma_semaphore, #tpu.memory_space<semaphore_mem>>
      %dma_start3A = arith.constant 0 : i32
      %dma_start3A_156 = tpu.memref_slice %arg17[%add3A_110, %dma_start3A] : memref<10240x80xf32, #tpu.memory_space<vmem_shared>> -> memref<80x80xf32, #tpu.memory_space<vmem_shared>>
      %dma_start3A_157 = arith.constant 0 : i32
      %dma_start3A_158 = tpu.memref_slice %arg17[%add3A_110, %dma_start3A_157] : memref<10240x80xf32, #tpu.memory_space<vmem_shared>> -> memref<80x80xf32, #tpu.memory_space<vmem_shared>>
      tpu.enqueue_dma source(%arg16 : memref<80x80xf32, #tpu.memory_space<vmem>>) target(%dma_start3A_158 : memref<80x80xf32, #tpu.memory_space<vmem_shared>>) target_semaphore(%run_scoped3A : memref<!tpu.dma_semaphore, #tpu.memory_space<semaphore_mem>>)
      %dma_wait3A = arith.constant 0 : i32
      %dma_wait3A_159 = tpu.memref_slice %arg17[%add3A_110, %dma_wait3A] : memref<10240x80xf32, #tpu.memory_space<vmem_shared>> -> memref<80x80xf32, #tpu.memory_space<vmem_shared>>
      %dma_wait3A_160 = arith.constant 0 : i32
      %dma_wait3A_161 = tpu.memref_slice %arg17[%add3A_110, %dma_wait3A_160] : memref<10240x80xf32, #tpu.memory_space<vmem_shared>> -> memref<80x80xf32, #tpu.memory_space<vmem_shared>>
      tpu.wait_dma2 semaphore(%run_scoped3A : memref<!tpu.dma_semaphore, #tpu.memory_space<semaphore_mem>>) src(%arg16 : memref<80x80xf32, #tpu.memory_space<vmem>>) dst(%dma_wait3A_161 : memref<80x80xf32, #tpu.memory_space<vmem_shared>>)
      tpu.yield
    }) : () -> ()
    %add3A_111 = arith.constant 320 : i32
    %add3A_112 = arith.addi %mul3A_102, %add3A_111 : i32
    "tpu.region"() ({
      %run_scoped3A = tpu.sem_alloc : memref<!tpu.dma_semaphore, #tpu.memory_space<semaphore_mem>>
      %dma_start3A = arith.constant 0 : i32
      %dma_start3A_156 = tpu.memref_slice %arg17[%add3A_112, %dma_start3A] : memref<10240x80xf32, #tpu.memory_space<vmem_shared>> -> memref<80x80xf32, #tpu.memory_space<vmem_shared>>
      %dma_start3A_157 = arith.constant 0 : i32
      %dma_start3A_158 = tpu.memref_slice %arg17[%add3A_112, %dma_start3A_157] : memref<10240x80xf32, #tpu.memory_space<vmem_shared>> -> memref<80x80xf32, #tpu.memory_space<vmem_shared>>
      tpu.enqueue_dma source(%arg16 : memref<80x80xf32, #tpu.memory_space<vmem>>) target(%dma_start3A_158 : memref<80x80xf32, #tpu.memory_space<vmem_shared>>) target_semaphore(%run_scoped3A : memref<!tpu.dma_semaphore, #tpu.memory_space<semaphore_mem>>)
      %dma_wait3A = arith.constant 0 : i32
      %dma_wait3A_159 = tpu.memref_slice %arg17[%add3A_112, %dma_wait3A] : memref<10240x80xf32, #tpu.memory_space<vmem_shared>> -> memref<80x80xf32, #tpu.memory_space<vmem_shared>>
      %dma_wait3A_160 = arith.constant 0 : i32
      %dma_wait3A_161 = tpu.memref_slice %arg17[%add3A_112, %dma_wait3A_160] : memref<10240x80xf32, #tpu.memory_space<vmem_shared>> -> memref<80x80xf32, #tpu.memory_space<vmem_shared>>
      tpu.wait_dma2 semaphore(%run_scoped3A : memref<!tpu.dma_semaphore, #tpu.memory_space<semaphore_mem>>) src(%arg16 : memref<80x80xf32, #tpu.memory_space<vmem>>) dst(%dma_wait3A_161 : memref<80x80xf32, #tpu.memory_space<vmem_shared>>)
      tpu.yield
    }) : () -> ()
    %add3A_113 = arith.constant 400 : i32
    %add3A_114 = arith.addi %mul3A_102, %add3A_113 : i32
    "tpu.region"() ({
      %run_scoped3A = tpu.sem_alloc : memref<!tpu.dma_semaphore, #tpu.memory_space<semaphore_mem>>
      %dma_start3A = arith.constant 0 : i32
      %dma_start3A_156 = tpu.memref_slice %arg17[%add3A_114, %dma_start3A] : memref<10240x80xf32, #tpu.memory_space<vmem_shared>> -> memref<80x80xf32, #tpu.memory_space<vmem_shared>>
      %dma_start3A_157 = arith.constant 0 : i32
      %dma_start3A_158 = tpu.memref_slice %arg17[%add3A_114, %dma_start3A_157] : memref<10240x80xf32, #tpu.memory_space<vmem_shared>> -> memref<80x80xf32, #tpu.memory_space<vmem_shared>>
      tpu.enqueue_dma source(%arg16 : memref<80x80xf32, #tpu.memory_space<vmem>>) target(%dma_start3A_158 : memref<80x80xf32, #tpu.memory_space<vmem_shared>>) target_semaphore(%run_scoped3A : memref<!tpu.dma_semaphore, #tpu.memory_space<semaphore_mem>>)
      %dma_wait3A = arith.constant 0 : i32
      %dma_wait3A_159 = tpu.memref_slice %arg17[%add3A_114, %dma_wait3A] : memref<10240x80xf32, #tpu.memory_space<vmem_shared>> -> memref<80x80xf32, #tpu.memory_space<vmem_shared>>
      %dma_wait3A_160 = arith.constant 0 : i32
      %dma_wait3A_161 = tpu.memref_slice %arg17[%add3A_114, %dma_wait3A_160] : memref<10240x80xf32, #tpu.memory_space<vmem_shared>> -> memref<80x80xf32, #tpu.memory_space<vmem_shared>>
      tpu.wait_dma2 semaphore(%run_scoped3A : memref<!tpu.dma_semaphore, #tpu.memory_space<semaphore_mem>>) src(%arg16 : memref<80x80xf32, #tpu.memory_space<vmem>>) dst(%dma_wait3A_161 : memref<80x80xf32, #tpu.memory_space<vmem_shared>>)
      tpu.yield
    }) : () -> ()
    %add3A_115 = arith.constant 480 : i32
    %add3A_116 = arith.addi %mul3A_102, %add3A_115 : i32
    "tpu.region"() ({
      %run_scoped3A = tpu.sem_alloc : memref<!tpu.dma_semaphore, #tpu.memory_space<semaphore_mem>>
      %dma_start3A = arith.constant 0 : i32
      %dma_start3A_156 = tpu.memref_slice %arg17[%add3A_116, %dma_start3A] : memref<10240x80xf32, #tpu.memory_space<vmem_shared>> -> memref<80x80xf32, #tpu.memory_space<vmem_shared>>
      %dma_start3A_157 = arith.constant 0 : i32
      %dma_start3A_158 = tpu.memref_slice %arg17[%add3A_116, %dma_start3A_157] : memref<10240x80xf32, #tpu.memory_space<vmem_shared>> -> memref<80x80xf32, #tpu.memory_space<vmem_shared>>
      tpu.enqueue_dma source(%arg16 : memref<80x80xf32, #tpu.memory_space<vmem>>) target(%dma_start3A_158 : memref<80x80xf32, #tpu.memory_space<vmem_shared>>) target_semaphore(%run_scoped3A : memref<!tpu.dma_semaphore, #tpu.memory_space<semaphore_mem>>)
      %dma_wait3A = arith.constant 0 : i32
      %dma_wait3A_159 = tpu.memref_slice %arg17[%add3A_116, %dma_wait3A] : memref<10240x80xf32, #tpu.memory_space<vmem_shared>> -> memref<80x80xf32, #tpu.memory_space<vmem_shared>>
      %dma_wait3A_160 = arith.constant 0 : i32
      %dma_wait3A_161 = tpu.memref_slice %arg17[%add3A_116, %dma_wait3A_160] : memref<10240x80xf32, #tpu.memory_space<vmem_shared>> -> memref<80x80xf32, #tpu.memory_space<vmem_shared>>
      tpu.wait_dma2 semaphore(%run_scoped3A : memref<!tpu.dma_semaphore, #tpu.memory_space<semaphore_mem>>) src(%arg16 : memref<80x80xf32, #tpu.memory_space<vmem>>) dst(%dma_wait3A_161 : memref<80x80xf32, #tpu.memory_space<vmem_shared>>)
      tpu.yield
    }) : () -> ()
    %add3A_117 = arith.constant 560 : i32
    %add3A_118 = arith.addi %mul3A_102, %add3A_117 : i32
    "tpu.region"() ({
      %run_scoped3A = tpu.sem_alloc : memref<!tpu.dma_semaphore, #tpu.memory_space<semaphore_mem>>
      %dma_start3A = arith.constant 0 : i32
      %dma_start3A_156 = tpu.memref_slice %arg17[%add3A_118, %dma_start3A] : memref<10240x80xf32, #tpu.memory_space<vmem_shared>> -> memref<80x80xf32, #tpu.memory_space<vmem_shared>>
      %dma_start3A_157 = arith.constant 0 : i32
      %dma_start3A_158 = tpu.memref_slice %arg17[%add3A_118, %dma_start3A_157] : memref<10240x80xf32, #tpu.memory_space<vmem_shared>> -> memref<80x80xf32, #tpu.memory_space<vmem_shared>>
      tpu.enqueue_dma source(%arg16 : memref<80x80xf32, #tpu.memory_space<vmem>>) target(%dma_start3A_158 : memref<80x80xf32, #tpu.memory_space<vmem_shared>>) target_semaphore(%run_scoped3A : memref<!tpu.dma_semaphore, #tpu.memory_space<semaphore_mem>>)
      %dma_wait3A = arith.constant 0 : i32
      %dma_wait3A_159 = tpu.memref_slice %arg17[%add3A_118, %dma_wait3A] : memref<10240x80xf32, #tpu.memory_space<vmem_shared>> -> memref<80x80xf32, #tpu.memory_space<vmem_shared>>
      %dma_wait3A_160 = arith.constant 0 : i32
      %dma_wait3A_161 = tpu.memref_slice %arg17[%add3A_118, %dma_wait3A_160] : memref<10240x80xf32, #tpu.memory_space<vmem_shared>> -> memref<80x80xf32, #tpu.memory_space<vmem_shared>>
      tpu.wait_dma2 semaphore(%run_scoped3A : memref<!tpu.dma_semaphore, #tpu.memory_space<semaphore_mem>>) src(%arg16 : memref<80x80xf32, #tpu.memory_space<vmem>>) dst(%dma_wait3A_161 : memref<80x80xf32, #tpu.memory_space<vmem_shared>>)
      tpu.yield
    }) : () -> ()
    %barrier3A = arith.constant 0 : index
    tpu.barrier barrier_id(%barrier3A)
    %min3A = arith.constant 10000 : i32
    %min3A_119 = arith.minsi %mul3A_102, %min3A : i32
    %sub3A = arith.constant 10000 : i32
    %sub3A_120 = arith.subi %sub3A, %min3A_119 : i32
    %jit3A_121 = arith.constant 80 : i32
    %div3A = arith.divsi %sub3A_120, %jit3A_121 : i32
    %sign3A = arith.constant 0 : i32
    %sign3A_122 = arith.cmpi sgt, %sub3A_120, %sign3A : i32
    %sign3A_123 = arith.extui %sign3A_122 : i1 to i32
    %sign3A_124 = arith.constant 0 : i32
    %sign3A_125 = arith.cmpi slt, %sub3A_120, %sign3A_124 : i32
    %sign3A_126 = arith.extui %sign3A_125 : i1 to i32
    %sign3A_127 = arith.subi %sign3A_123, %sign3A_126 : i32
    %sign3A_128 = arith.constant 0 : i32
    %sign3A_129 = arith.cmpi sgt, %jit3A_121, %sign3A_128 : i32
    %sign3A_130 = arith.extui %sign3A_129 : i1 to i32
    %sign3A_131 = arith.constant 0 : i32
    %sign3A_132 = arith.cmpi slt, %jit3A_121, %sign3A_131 : i32
    %sign3A_133 = arith.extui %sign3A_132 : i1 to i32
    %sign3A_134 = arith.subi %sign3A_130, %sign3A_133 : i32
    %ne3A = arith.cmpi ne, %sign3A_127, %sign3A_134 : i32
    %rem3A = arith.remsi %sub3A_120, %jit3A_121 : i32
    %ne3A_135 = arith.constant 0 : i32
    %ne3A_136 = arith.cmpi ne, %rem3A, %ne3A_135 : i32
    %and3A = arith.andi %ne3A, %ne3A_136 : i1
    %sub3A_137 = arith.constant 1 : i32
    %sub3A_138 = arith.subi %div3A, %sub3A_137 : i32
    %select_n3A_139 = arith.select %and3A, %sub3A_138, %div3A : i32
    %min3A_140 = arith.constant 8 : i32
    %min3A_141 = arith.minsi %select_n3A_139, %min3A_140 : i32
    %scan3A_142 = arith.constant 0 : i32
    %scan3A_143 = arith.constant 250 : i32
    %scan3A_144 = arith.addi %scan3A_142, %scan3A_143 : i32
    %scan3A_145 = arith.constant 1 : i32
    scf.for %scan3A_156 = %scan3A_142 to %scan3A_144 step %scan3A_145  : i32 {
      %mul3A_157 = arith.constant 80 : i32
      %mul3A_158 = arith.muli %scan3A_156, %mul3A_157 : i32
      %add3A_159 = arith.addi %mul3A_0, %mul3A_158 : i32
      "tpu.region"() ({
        %run_scoped3A = tpu.sem_alloc : memref<!tpu.dma_semaphore, #tpu.memory_space<semaphore_mem>>
        %dma_start3A_264 = tpu.memref_slice %arg4[%add3A_159] : memref<320000xi32, #tpu.memory_space<hbm>> -> memref<80xi32, #tpu.memory_space<hbm>>
        %dma_start3A_265 = tpu.memref_slice %arg4[%add3A_159] : memref<320000xi32, #tpu.memory_space<hbm>> -> memref<80xi32, #tpu.memory_space<hbm>>
        tpu.enqueue_dma source(%dma_start3A_265 : memref<80xi32, #tpu.memory_space<hbm>>) target(%arg9 : memref<80xi32, #tpu.memory_space<vmem>>) target_semaphore(%run_scoped3A : memref<!tpu.dma_semaphore, #tpu.memory_space<semaphore_mem>>)
        %dma_wait3A_266 = tpu.memref_slice %arg4[%add3A_159] : memref<320000xi32, #tpu.memory_space<hbm>> -> memref<80xi32, #tpu.memory_space<hbm>>
        %dma_wait3A_267 = tpu.memref_slice %arg4[%add3A_159] : memref<320000xi32, #tpu.memory_space<hbm>> -> memref<80xi32, #tpu.memory_space<hbm>>
        tpu.wait_dma2 semaphore(%run_scoped3A : memref<!tpu.dma_semaphore, #tpu.memory_space<semaphore_mem>>) src(%dma_wait3A_267 : memref<80xi32, #tpu.memory_space<hbm>>) dst(%arg9 : memref<80xi32, #tpu.memory_space<vmem>>)
        tpu.yield
      }) : () -> ()
      "tpu.region"() ({
        %run_scoped3A = tpu.sem_alloc : memref<!tpu.dma_semaphore, #tpu.memory_space<semaphore_mem>>
        %dma_start3A_264 = tpu.memref_slice %arg5[%add3A_159] : memref<320000xi32, #tpu.memory_space<hbm>> -> memref<80xi32, #tpu.memory_space<hbm>>
        %dma_start3A_265 = tpu.memref_slice %arg5[%add3A_159] : memref<320000xi32, #tpu.memory_space<hbm>> -> memref<80xi32, #tpu.memory_space<hbm>>
        tpu.enqueue_dma source(%dma_start3A_265 : memref<80xi32, #tpu.memory_space<hbm>>) target(%arg10 : memref<80xi32, #tpu.memory_space<vmem>>) target_semaphore(%run_scoped3A : memref<!tpu.dma_semaphore, #tpu.memory_space<semaphore_mem>>)
        %dma_wait3A_266 = tpu.memref_slice %arg5[%add3A_159] : memref<320000xi32, #tpu.memory_space<hbm>> -> memref<80xi32, #tpu.memory_space<hbm>>
        %dma_wait3A_267 = tpu.memref_slice %arg5[%add3A_159] : memref<320000xi32, #tpu.memory_space<hbm>> -> memref<80xi32, #tpu.memory_space<hbm>>
        tpu.wait_dma2 semaphore(%run_scoped3A : memref<!tpu.dma_semaphore, #tpu.memory_space<semaphore_mem>>) src(%dma_wait3A_267 : memref<80xi32, #tpu.memory_space<hbm>>) dst(%arg10 : memref<80xi32, #tpu.memory_space<vmem>>)
        tpu.yield
      }) : () -> ()
      "tpu.region"() ({
        %run_scoped3A = tpu.sem_alloc : memref<!tpu.dma_semaphore, #tpu.memory_space<semaphore_mem>>
        %dma_start3A_264 = arith.constant 0 : i32
        %dma_start3A_265 = tpu.memref_slice %arg11[%dma_start3A_264] : memref<96xi32, #tpu.memory_space<vmem>> -> memref<80xi32, #tpu.memory_space<vmem>>
        %dma_start3A_266 = tpu.memref_slice %arg6[%add3A_159] : memref<320000xi32, #tpu.memory_space<hbm>> -> memref<80xi32, #tpu.memory_space<hbm>>
        %dma_start3A_267 = arith.constant 0 : i32
        %dma_start3A_268 = tpu.memref_slice %arg11[%dma_start3A_267] : memref<96xi32, #tpu.memory_space<vmem>> -> memref<80xi32, #tpu.memory_space<vmem>>
        %dma_start3A_269 = tpu.memref_slice %arg6[%add3A_159] : memref<320000xi32, #tpu.memory_space<hbm>> -> memref<80xi32, #tpu.memory_space<hbm>>
        tpu.enqueue_dma source(%dma_start3A_269 : memref<80xi32, #tpu.memory_space<hbm>>) target(%dma_start3A_268 : memref<80xi32, #tpu.memory_space<vmem>>) target_semaphore(%run_scoped3A : memref<!tpu.dma_semaphore, #tpu.memory_space<semaphore_mem>>)
        %dma_wait3A_270 = arith.constant 0 : i32
        %dma_wait3A_271 = tpu.memref_slice %arg11[%dma_wait3A_270] : memref<96xi32, #tpu.memory_space<vmem>> -> memref<80xi32, #tpu.memory_space<vmem>>
        %dma_wait3A_272 = tpu.memref_slice %arg6[%add3A_159] : memref<320000xi32, #tpu.memory_space<hbm>> -> memref<80xi32, #tpu.memory_space<hbm>>
        %dma_wait3A_273 = arith.constant 0 : i32
        %dma_wait3A_274 = tpu.memref_slice %arg11[%dma_wait3A_273] : memref<96xi32, #tpu.memory_space<vmem>> -> memref<80xi32, #tpu.memory_space<vmem>>
        %dma_wait3A_275 = tpu.memref_slice %arg6[%add3A_159] : memref<320000xi32, #tpu.memory_space<hbm>> -> memref<80xi32, #tpu.memory_space<hbm>>
        tpu.wait_dma2 semaphore(%run_scoped3A : memref<!tpu.dma_semaphore, #tpu.memory_space<semaphore_mem>>) src(%dma_wait3A_275 : memref<80xi32, #tpu.memory_space<hbm>>) dst(%dma_wait3A_274 : memref<80xi32, #tpu.memory_space<vmem>>)
        tpu.yield
      }) : () -> ()
      %get3A_160 = arith.constant 0 : index
      %get3A_161 = tpu.vector_load %arg9[%get3A_160] {strides = array<i32>} : memref<80xi32, #tpu.memory_space<vmem>>, vector<16xi32>,
      %add3A_162 = vector.broadcast %mul3A_2 : i32 to vector<16xi32>
      %add3A_163 = arith.addi %get3A_161, %add3A_162 : vector<16xi32>
      %swap3A = arith.constant 0 : index
      %swap3A_164 = tpu.vector_load %arg9[%swap3A] {strides = array<i32>} : memref<80xi32, #tpu.memory_space<vmem>>, vector<16xi32>,
      tpu.vector_store %arg9[%swap3A], %add3A_163 {strides = array<i32>} : memref<80xi32, #tpu.memory_space<vmem>>, vector<16xi32>,
      %get3A_165 = arith.constant 0 : index
      %get3A_166 = tpu.vector_load %arg10[%get3A_165] {strides = array<i32>} : memref<80xi32, #tpu.memory_space<vmem>>, vector<16xi32>,
      %add3A_167 = vector.broadcast %mul3A_2 : i32 to vector<16xi32>
      %add3A_168 = arith.addi %get3A_166, %add3A_167 : vector<16xi32>
      %swap3A_169 = arith.constant 0 : index
      %swap3A_170 = tpu.vector_load %arg10[%swap3A_169] {strides = array<i32>} : memref<80xi32, #tpu.memory_space<vmem>>, vector<16xi32>,
      tpu.vector_store %arg10[%swap3A_169], %add3A_168 {strides = array<i32>} : memref<80xi32, #tpu.memory_space<vmem>>, vector<16xi32>,
      %get3A_171 = arith.constant 16 : index
      %get3A_172 = tpu.vector_load %arg9[%get3A_171] {strides = array<i32>} : memref<80xi32, #tpu.memory_space<vmem>>, vector<16xi32>,
      %add3A_173 = vector.broadcast %mul3A_2 : i32 to vector<16xi32>
      %add3A_174 = arith.addi %get3A_172, %add3A_173 : vector<16xi32>
      %swap3A_175 = arith.constant 16 : index
      %swap3A_176 = tpu.vector_load %arg9[%swap3A_175] {strides = array<i32>} : memref<80xi32, #tpu.memory_space<vmem>>, vector<16xi32>,
      tpu.vector_store %arg9[%swap3A_175], %add3A_174 {strides = array<i32>} : memref<80xi32, #tpu.memory_space<vmem>>, vector<16xi32>,
      %get3A_177 = arith.constant 16 : index
      %get3A_178 = tpu.vector_load %arg10[%get3A_177] {strides = array<i32>} : memref<80xi32, #tpu.memory_space<vmem>>, vector<16xi32>,
      %add3A_179 = vector.broadcast %mul3A_2 : i32 to vector<16xi32>
      %add3A_180 = arith.addi %get3A_178, %add3A_179 : vector<16xi32>
      %swap3A_181 = arith.constant 16 : index
      %swap3A_182 = tpu.vector_load %arg10[%swap3A_181] {strides = array<i32>} : memref<80xi32, #tpu.memory_space<vmem>>, vector<16xi32>,
      tpu.vector_store %arg10[%swap3A_181], %add3A_180 {strides = array<i32>} : memref<80xi32, #tpu.memory_space<vmem>>, vector<16xi32>,
      %get3A_183 = arith.constant 32 : index
      %get3A_184 = tpu.vector_load %arg9[%get3A_183] {strides = array<i32>} : memref<80xi32, #tpu.memory_space<vmem>>, vector<16xi32>,
      %add3A_185 = vector.broadcast %mul3A_2 : i32 to vector<16xi32>
      %add3A_186 = arith.addi %get3A_184, %add3A_185 : vector<16xi32>
      %swap3A_187 = arith.constant 32 : index
      %swap3A_188 = tpu.vector_load %arg9[%swap3A_187] {strides = array<i32>} : memref<80xi32, #tpu.memory_space<vmem>>, vector<16xi32>,
      tpu.vector_store %arg9[%swap3A_187], %add3A_186 {strides = array<i32>} : memref<80xi32, #tpu.memory_space<vmem>>, vector<16xi32>,
      %get3A_189 = arith.constant 32 : index
      %get3A_190 = tpu.vector_load %arg10[%get3A_189] {strides = array<i32>} : memref<80xi32, #tpu.memory_space<vmem>>, vector<16xi32>,
      %add3A_191 = vector.broadcast %mul3A_2 : i32 to vector<16xi32>
      %add3A_192 = arith.addi %get3A_190, %add3A_191 : vector<16xi32>
      %swap3A_193 = arith.constant 32 : index
      %swap3A_194 = tpu.vector_load %arg10[%swap3A_193] {strides = array<i32>} : memref<80xi32, #tpu.memory_space<vmem>>, vector<16xi32>,
      tpu.vector_store %arg10[%swap3A_193], %add3A_192 {strides = array<i32>} : memref<80xi32, #tpu.memory_space<vmem>>, vector<16xi32>,
      %get3A_195 = arith.constant 48 : index
      %get3A_196 = tpu.vector_load %arg9[%get3A_195] {strides = array<i32>} : memref<80xi32, #tpu.memory_space<vmem>>, vector<16xi32>,
      %add3A_197 = vector.broadcast %mul3A_2 : i32 to vector<16xi32>
      %add3A_198 = arith.addi %get3A_196, %add3A_197 : vector<16xi32>
      %swap3A_199 = arith.constant 48 : index
      %swap3A_200 = tpu.vector_load %arg9[%swap3A_199] {strides = array<i32>} : memref<80xi32, #tpu.memory_space<vmem>>, vector<16xi32>,
      tpu.vector_store %arg9[%swap3A_199], %add3A_198 {strides = array<i32>} : memref<80xi32, #tpu.memory_space<vmem>>, vector<16xi32>,
      %get3A_201 = arith.constant 48 : index
      %get3A_202 = tpu.vector_load %arg10[%get3A_201] {strides = array<i32>} : memref<80xi32, #tpu.memory_space<vmem>>, vector<16xi32>,
      %add3A_203 = vector.broadcast %mul3A_2 : i32 to vector<16xi32>
      %add3A_204 = arith.addi %get3A_202, %add3A_203 : vector<16xi32>
      %swap3A_205 = arith.constant 48 : index
      %swap3A_206 = tpu.vector_load %arg10[%swap3A_205] {strides = array<i32>} : memref<80xi32, #tpu.memory_space<vmem>>, vector<16xi32>,
      tpu.vector_store %arg10[%swap3A_205], %add3A_204 {strides = array<i32>} : memref<80xi32, #tpu.memory_space<vmem>>, vector<16xi32>,
      %get3A_207 = arith.constant 64 : index
      %get3A_208 = tpu.vector_load %arg9[%get3A_207] {strides = array<i32>} : memref<80xi32, #tpu.memory_space<vmem>>, vector<16xi32>,
      %add3A_209 = vector.broadcast %mul3A_2 : i32 to vector<16xi32>
      %add3A_210 = arith.addi %get3A_208, %add3A_209 : vector<16xi32>
      %swap3A_211 = arith.constant 64 : index
      %swap3A_212 = tpu.vector_load %arg9[%swap3A_211] {strides = array<i32>} : memref<80xi32, #tpu.memory_space<vmem>>, vector<16xi32>,
      tpu.vector_store %arg9[%swap3A_211], %add3A_210 {strides = array<i32>} : memref<80xi32, #tpu.memory_space<vmem>>, vector<16xi32>,
      %get3A_213 = arith.constant 64 : index
      %get3A_214 = tpu.vector_load %arg10[%get3A_213] {strides = array<i32>} : memref<80xi32, #tpu.memory_space<vmem>>, vector<16xi32>,
      %add3A_215 = vector.broadcast %mul3A_2 : i32 to vector<16xi32>
      %add3A_216 = arith.addi %get3A_214, %add3A_215 : vector<16xi32>
      %swap3A_217 = arith.constant 64 : index
      %swap3A_218 = tpu.vector_load %arg10[%swap3A_217] {strides = array<i32>} : memref<80xi32, #tpu.memory_space<vmem>>, vector<16xi32>,
      tpu.vector_store %arg10[%swap3A_217], %add3A_216 {strides = array<i32>} : memref<80xi32, #tpu.memory_space<vmem>>, vector<16xi32>,
      %dma_start3A = arith.constant 0 : i32
      %dma_start3A_219 = arith.constant 0 : i32
      %dma_start3A_220 = tpu.memref_slice %arg2[%dma_start3A, %dma_start3A_219] : memref<20000x64xf32, #tpu.memory_space<hbm>> -> memref<20000x64xf32, #tpu.memory_space<hbm>>
      tpu.enqueue_indirect_dma source(%dma_start3A_220 : memref<20000x64xf32, #tpu.memory_space<hbm>>) target(%arg12 : memref<80x64xf32, #tpu.memory_space<vmem>>) offsets(%arg10 : memref<80xi32, #tpu.memory_space<vmem>>) semaphore(%arg18 : memref<!tpu.dma_semaphore, #tpu.memory_space<semaphore_mem>>)
      %dma_start3A_221 = arith.constant 0 : i32
      %dma_start3A_222 = arith.constant 0 : i32
      %dma_start3A_223 = tpu.memref_slice %arg3[%dma_start3A_221, %dma_start3A_222] : memref<20000x128xf32, #tpu.memory_space<hbm>> -> memref<20000x128xf32, #tpu.memory_space<hbm>>
      tpu.enqueue_indirect_dma source(%dma_start3A_223 : memref<20000x128xf32, #tpu.memory_space<hbm>>) target(%arg13 : memref<80x128xf32, #tpu.memory_space<vmem>>) offsets(%arg9 : memref<80xi32, #tpu.memory_space<vmem>>) semaphore(%arg19 : memref<!tpu.dma_semaphore, #tpu.memory_space<semaphore_mem>>)
      %dma_wait3A = arith.constant 0 : i32
      %dma_wait3A_224 = arith.constant 0 : i32
      %dma_wait3A_225 = tpu.memref_slice %arg2[%dma_wait3A, %dma_wait3A_224] : memref<20000x64xf32, #tpu.memory_space<hbm>> -> memref<20000x64xf32, #tpu.memory_space<hbm>>
      tpu.wait_indirect_dma semaphore(%arg18 : memref<!tpu.dma_semaphore, #tpu.memory_space<semaphore_mem>>) src(%dma_wait3A_225 : memref<20000x64xf32, #tpu.memory_space<hbm>>) dst(%arg12 : memref<80x64xf32, #tpu.memory_space<vmem>>)
      %dma_wait3A_226 = arith.constant 0 : i32
      %dma_wait3A_227 = arith.constant 0 : i32
      %dma_wait3A_228 = tpu.memref_slice %arg3[%dma_wait3A_226, %dma_wait3A_227] : memref<20000x128xf32, #tpu.memory_space<hbm>> -> memref<20000x128xf32, #tpu.memory_space<hbm>>
      tpu.wait_indirect_dma semaphore(%arg19 : memref<!tpu.dma_semaphore, #tpu.memory_space<semaphore_mem>>) src(%dma_wait3A_228 : memref<20000x128xf32, #tpu.memory_space<hbm>>) dst(%arg13 : memref<80x128xf32, #tpu.memory_space<vmem>>)
      %scan3A_229 = arith.constant 0 : i32
      %scan3A_230 = arith.constant 80 : i32
      %scan3A_231 = arith.addi %scan3A_229, %scan3A_230 : i32
      %scan3A_232 = arith.constant 1 : i32
      scf.for %scan3A_264 = %scan3A_229 to %scan3A_231 step %scan3A_232  : i32 {
        %get3A_265 = arith.index_cast %scan3A_264 : i32 to index
        %get3A_266 = tpu.vector_load %arg11[%get3A_265] {strides = array<i32>} : memref<96xi32, #tpu.memory_space<vmem>>, vector<16xi32>,
        %broadcast_in_dim3A_267 = arith.constant 0 : i32
        %broadcast_in_dim3A_268 = vector.broadcast %broadcast_in_dim3A_267 : i32 to vector<16x1xi32>
        %gather3A = vector.shape_cast %broadcast_in_dim3A_268 : vector<16x1xi32> to vector<16xi32>
        %gather3A_269 = tpu.dynamic_gather %get3A_266[%gather3A] in [0] : vector<16xi32>, vector<16xi32> -> vector<16xi32>
        %eq3A = arith.constant 0 : i32
        %eq3A_270 = vector.broadcast %eq3A : i32 to vector<16xi32>
        %eq3A_271 = arith.cmpi eq, %gather3A_269, %eq3A_270 : vector<16xi32>
        %select_n3A_272 = arith.select %eq3A_271, %select_n3A, %broadcast_in_dim3A_3 : vector<16xi1>, vector<16xf32>
        %eq3A_273 = arith.constant 1 : i32
        %eq3A_274 = vector.broadcast %eq3A_273 : i32 to vector<16xi32>
        %eq3A_275 = arith.cmpi eq, %gather3A_269, %eq3A_274 : vector<16xi32>
        %select_n3A_276 = arith.select %eq3A_275, %select_n3A_24, %select_n3A_272 : vector<16xi1>, vector<16xf32>
        %eq3A_277 = arith.constant 2 : i32
        %eq3A_278 = vector.broadcast %eq3A_277 : i32 to vector<16xi32>
        %eq3A_279 = arith.cmpi eq, %gather3A_269, %eq3A_278 : vector<16xi32>
        %select_n3A_280 = arith.select %eq3A_279, %select_n3A_36, %select_n3A_276 : vector<16xi1>, vector<16xf32>
        %eq3A_281 = arith.constant 3 : i32
        %eq3A_282 = vector.broadcast %eq3A_281 : i32 to vector<16xi32>
        %eq3A_283 = arith.cmpi eq, %gather3A_269, %eq3A_282 : vector<16xi32>
        %select_n3A_284 = arith.select %eq3A_283, %select_n3A_48, %select_n3A_280 : vector<16xi1>, vector<16xf32>
        %eq3A_285 = arith.constant 4 : i32
        %eq3A_286 = vector.broadcast %eq3A_285 : i32 to vector<16xi32>
        %eq3A_287 = arith.cmpi eq, %gather3A_269, %eq3A_286 : vector<16xi32>
        %select_n3A_288 = arith.select %eq3A_287, %select_n3A_60, %select_n3A_284 : vector<16xi1>, vector<16xf32>
        %eq3A_289 = arith.constant 5 : i32
        %eq3A_290 = vector.broadcast %eq3A_289 : i32 to vector<16xi32>
        %eq3A_291 = arith.cmpi eq, %gather3A_269, %eq3A_290 : vector<16xi32>
        %select_n3A_292 = arith.select %eq3A_291, %select_n3A_72, %select_n3A_288 : vector<16xi1>, vector<16xf32>
        %eq3A_293 = arith.constant 6 : i32
        %eq3A_294 = vector.broadcast %eq3A_293 : i32 to vector<16xi32>
        %eq3A_295 = arith.cmpi eq, %gather3A_269, %eq3A_294 : vector<16xi32>
        %select_n3A_296 = arith.select %eq3A_295, %select_n3A_84, %select_n3A_292 : vector<16xi1>, vector<16xf32>
        %eq3A_297 = arith.constant 7 : i32
        %eq3A_298 = vector.broadcast %eq3A_297 : i32 to vector<16xi32>
        %eq3A_299 = arith.cmpi eq, %gather3A_269, %eq3A_298 : vector<16xi32>
        %select_n3A_300 = arith.select %eq3A_299, %select_n3A_96, %select_n3A_296 : vector<16xi1>, vector<16xf32>
        %get3A_301 = arith.index_cast %scan3A_264 : i32 to index
        %get3A_302 = arith.constant 0 : index
        %get3A_303 = tpu.vector_load %arg12[%get3A_301, %get3A_302] {strides = array<i32>} : memref<80x64xf32, #tpu.memory_space<vmem>>, vector<16xf32>,
        %get3A_304 = arith.index_cast %scan3A_264 : i32 to index
        %get3A_305 = arith.constant 0 : index
        %get3A_306 = tpu.vector_load %arg13[%get3A_304, %get3A_305] {strides = array<i32>} : memref<80x128xf32, #tpu.memory_space<vmem>>, vector<16xf32>,
        %mul3A_307 = arith.mulf %get3A_303, %get3A_306 : vector<16xf32>
        %broadcast_in_dim3A_308 = arith.constant true
        %broadcast_in_dim3A_309 = vector.broadcast %broadcast_in_dim3A_308 : i1 to vector<16xi1>
        %masked_cumsum3A = tpu.scan <sum>, %mul3A_307 masked %broadcast_in_dim3A_309 : vector<16xf32>, vector<16xi1> -> vector<16xf32>
        %reshape3A = vector.shape_cast %broadcast_in_dim3A_5 : vector<16xi32> to vector<16x1xi32>
        %gather3A_310 = vector.shape_cast %reshape3A : vector<16x1xi32> to vector<16xi32>
        %gather3A_311 = tpu.dynamic_gather %masked_cumsum3A[%gather3A_310] in [0] : vector<16xf32>, vector<16xi32> -> vector<16xf32>
        %eq3A_312 = arith.constant 0 : i32
        %eq3A_313 = vector.broadcast %eq3A_312 : i32 to vector<16xi32>
        %eq3A_314 = arith.cmpi eq, %iota3A, %eq3A_313 : vector<16xi32>
        %select_n3A_315 = arith.select %eq3A_314, %gather3A_311, %broadcast_in_dim3A_3 : vector<16xi1>, vector<16xf32>
        %get3A_316 = arith.index_cast %scan3A_264 : i32 to index
        %get3A_317 = arith.constant 16 : index
        %get3A_318 = tpu.vector_load %arg12[%get3A_316, %get3A_317] {strides = array<i32>} : memref<80x64xf32, #tpu.memory_space<vmem>>, vector<16xf32>,
        %get3A_319 = arith.index_cast %scan3A_264 : i32 to index
        %get3A_320 = arith.constant 16 : index
        %get3A_321 = tpu.vector_load %arg13[%get3A_319, %get3A_320] {strides = array<i32>} : memref<80x128xf32, #tpu.memory_space<vmem>>, vector<16xf32>,
        %mul3A_322 = arith.mulf %get3A_318, %get3A_321 : vector<16xf32>
        %broadcast_in_dim3A_323 = arith.constant true
        %broadcast_in_dim3A_324 = vector.broadcast %broadcast_in_dim3A_323 : i1 to vector<16xi1>
        %masked_cumsum3A_325 = tpu.scan <sum>, %mul3A_322 masked %broadcast_in_dim3A_324 : vector<16xf32>, vector<16xi1> -> vector<16xf32>
        %reshape3A_326 = vector.shape_cast %broadcast_in_dim3A_5 : vector<16xi32> to vector<16x1xi32>
        %gather3A_327 = vector.shape_cast %reshape3A_326 : vector<16x1xi32> to vector<16xi32>
        %gather3A_328 = tpu.dynamic_gather %masked_cumsum3A_325[%gather3A_327] in [0] : vector<16xf32>, vector<16xi32> -> vector<16xf32>
        %eq3A_329 = arith.constant 1 : i32
        %eq3A_330 = vector.broadcast %eq3A_329 : i32 to vector<16xi32>
        %eq3A_331 = arith.cmpi eq, %iota3A, %eq3A_330 : vector<16xi32>
        %select_n3A_332 = arith.select %eq3A_331, %gather3A_328, %select_n3A_315 : vector<16xi1>, vector<16xf32>
        %get3A_333 = arith.index_cast %scan3A_264 : i32 to index
        %get3A_334 = arith.constant 32 : index
        %get3A_335 = tpu.vector_load %arg12[%get3A_333, %get3A_334] {strides = array<i32>} : memref<80x64xf32, #tpu.memory_space<vmem>>, vector<16xf32>,
        %get3A_336 = arith.index_cast %scan3A_264 : i32 to index
        %get3A_337 = arith.constant 32 : index
        %get3A_338 = tpu.vector_load %arg13[%get3A_336, %get3A_337] {strides = array<i32>} : memref<80x128xf32, #tpu.memory_space<vmem>>, vector<16xf32>,
        %mul3A_339 = arith.mulf %get3A_335, %get3A_338 : vector<16xf32>
        %broadcast_in_dim3A_340 = arith.constant true
        %broadcast_in_dim3A_341 = vector.broadcast %broadcast_in_dim3A_340 : i1 to vector<16xi1>
        %masked_cumsum3A_342 = tpu.scan <sum>, %mul3A_339 masked %broadcast_in_dim3A_341 : vector<16xf32>, vector<16xi1> -> vector<16xf32>
        %reshape3A_343 = vector.shape_cast %broadcast_in_dim3A_5 : vector<16xi32> to vector<16x1xi32>
        %gather3A_344 = vector.shape_cast %reshape3A_343 : vector<16x1xi32> to vector<16xi32>
        %gather3A_345 = tpu.dynamic_gather %masked_cumsum3A_342[%gather3A_344] in [0] : vector<16xf32>, vector<16xi32> -> vector<16xf32>
        %eq3A_346 = arith.constant 2 : i32
        %eq3A_347 = vector.broadcast %eq3A_346 : i32 to vector<16xi32>
        %eq3A_348 = arith.cmpi eq, %iota3A, %eq3A_347 : vector<16xi32>
        %select_n3A_349 = arith.select %eq3A_348, %gather3A_345, %select_n3A_332 : vector<16xi1>, vector<16xf32>
        %get3A_350 = arith.index_cast %scan3A_264 : i32 to index
        %get3A_351 = arith.constant 48 : index
        %get3A_352 = tpu.vector_load %arg12[%get3A_350, %get3A_351] {strides = array<i32>} : memref<80x64xf32, #tpu.memory_space<vmem>>, vector<16xf32>,
        %get3A_353 = arith.index_cast %scan3A_264 : i32 to index
        %get3A_354 = arith.constant 48 : index
        %get3A_355 = tpu.vector_load %arg13[%get3A_353, %get3A_354] {strides = array<i32>} : memref<80x128xf32, #tpu.memory_space<vmem>>, vector<16xf32>,
        %mul3A_356 = arith.mulf %get3A_352, %get3A_355 : vector<16xf32>
        %broadcast_in_dim3A_357 = arith.constant true
        %broadcast_in_dim3A_358 = vector.broadcast %broadcast_in_dim3A_357 : i1 to vector<16xi1>
        %masked_cumsum3A_359 = tpu.scan <sum>, %mul3A_356 masked %broadcast_in_dim3A_358 : vector<16xf32>, vector<16xi1> -> vector<16xf32>
        %reshape3A_360 = vector.shape_cast %broadcast_in_dim3A_5 : vector<16xi32> to vector<16x1xi32>
        %gather3A_361 = vector.shape_cast %reshape3A_360 : vector<16x1xi32> to vector<16xi32>
        %gather3A_362 = tpu.dynamic_gather %masked_cumsum3A_359[%gather3A_361] in [0] : vector<16xf32>, vector<16xi32> -> vector<16xf32>
        %eq3A_363 = arith.constant 3 : i32
        %eq3A_364 = vector.broadcast %eq3A_363 : i32 to vector<16xi32>
        %eq3A_365 = arith.cmpi eq, %iota3A, %eq3A_364 : vector<16xi32>
        %select_n3A_366 = arith.select %eq3A_365, %gather3A_362, %select_n3A_349 : vector<16xi1>, vector<16xf32>
        %mul3A_367 = arith.constant 2.500000e-01 : f32
        %mul3A_368 = vector.broadcast %mul3A_367 : f32 to vector<16xf32>
        %mul3A_369 = arith.mulf %select_n3A_366, %mul3A_368 : vector<16xf32>
        %add3A_370 = arith.addf %mul3A_369, %select_n3A_300 : vector<16xf32>
        %exp3A = math.exp %add3A_370 : vector<16xf32>
        %lt3A_371 = arith.constant 4 : i32
        %lt3A_372 = vector.broadcast %lt3A_371 : i32 to vector<16xi32>
        %lt3A_373 = arith.cmpi slt, %iota3A, %lt3A_372 : vector<16xi32>
        %jit3A_374 = arith.constant 0.000000e+00 : f32
        %broadcast_in_dim3A_375 = vector.broadcast %jit3A_374 : f32 to vector<16xf32>
        %select_n3A_376 = arith.select %lt3A_373, %exp3A, %broadcast_in_dim3A_375 : vector<16xi1>, vector<16xf32>
        %swap3A_377 = arith.index_cast %scan3A_264 : i32 to index
        %swap3A_378 = arith.constant 64 : index
        %swap3A_379 = tpu.vector_load %arg14[%swap3A_377, %swap3A_378] {strides = array<i32>} : memref<80x80xf32, #tpu.memory_space<vmem>>, vector<16xf32>,
        tpu.vector_store %arg14[%swap3A_377, %swap3A_378], %select_n3A_376 {strides = array<i32>} : memref<80x80xf32, #tpu.memory_space<vmem>>, vector<16xf32>,
        %broadcast_in_dim3A_380 = arith.constant 0 : i32
        %broadcast_in_dim3A_381 = vector.broadcast %broadcast_in_dim3A_380 : i32 to vector<16x1xi32>
        %gather3A_382 = vector.shape_cast %broadcast_in_dim3A_381 : vector<16x1xi32> to vector<16xi32>
        %gather3A_383 = tpu.dynamic_gather %select_n3A_376[%gather3A_382] in [0] : vector<16xf32>, vector<16xi32> -> vector<16xf32>
        %get3A_384 = arith.index_cast %scan3A_264 : i32 to index
        %get3A_385 = arith.constant 64 : index
        %get3A_386 = tpu.vector_load %arg13[%get3A_384, %get3A_385] {strides = array<i32>} : memref<80x128xf32, #tpu.memory_space<vmem>>, vector<16xf32>,
        %mul3A_387 = arith.mulf %gather3A_383, %get3A_386 : vector<16xf32>
        %swap3A_388 = arith.index_cast %scan3A_264 : i32 to index
        %swap3A_389 = arith.constant 0 : index
        %swap3A_390 = tpu.vector_load %arg14[%swap3A_388, %swap3A_389] {strides = array<i32>} : memref<80x80xf32, #tpu.memory_space<vmem>>, vector<16xf32>,
        tpu.vector_store %arg14[%swap3A_388, %swap3A_389], %mul3A_387 {strides = array<i32>} : memref<80x80xf32, #tpu.memory_space<vmem>>, vector<16xf32>,
        %broadcast_in_dim3A_391 = arith.constant 1 : i32
        %broadcast_in_dim3A_392 = vector.broadcast %broadcast_in_dim3A_391 : i32 to vector<16x1xi32>
        %gather3A_393 = vector.shape_cast %broadcast_in_dim3A_392 : vector<16x1xi32> to vector<16xi32>
        %gather3A_394 = tpu.dynamic_gather %select_n3A_376[%gather3A_393] in [0] : vector<16xf32>, vector<16xi32> -> vector<16xf32>
        %get3A_395 = arith.index_cast %scan3A_264 : i32 to index
        %get3A_396 = arith.constant 80 : index
        %get3A_397 = tpu.vector_load %arg13[%get3A_395, %get3A_396] {strides = array<i32>} : memref<80x128xf32, #tpu.memory_space<vmem>>, vector<16xf32>,
        %mul3A_398 = arith.mulf %gather3A_394, %get3A_397 : vector<16xf32>
        %swap3A_399 = arith.index_cast %scan3A_264 : i32 to index
        %swap3A_400 = arith.constant 16 : index
        %swap3A_401 = tpu.vector_load %arg14[%swap3A_399, %swap3A_400] {strides = array<i32>} : memref<80x80xf32, #tpu.memory_space<vmem>>, vector<16xf32>,
        tpu.vector_store %arg14[%swap3A_399, %swap3A_400], %mul3A_398 {strides = array<i32>} : memref<80x80xf32, #tpu.memory_space<vmem>>, vector<16xf32>,
        %broadcast_in_dim3A_402 = arith.constant 2 : i32
        %broadcast_in_dim3A_403 = vector.broadcast %broadcast_in_dim3A_402 : i32 to vector<16x1xi32>
        %gather3A_404 = vector.shape_cast %broadcast_in_dim3A_403 : vector<16x1xi32> to vector<16xi32>
        %gather3A_405 = tpu.dynamic_gather %select_n3A_376[%gather3A_404] in [0] : vector<16xf32>, vector<16xi32> -> vector<16xf32>
        %get3A_406 = arith.index_cast %scan3A_264 : i32 to index
        %get3A_407 = arith.constant 96 : index
        %get3A_408 = tpu.vector_load %arg13[%get3A_406, %get3A_407] {strides = array<i32>} : memref<80x128xf32, #tpu.memory_space<vmem>>, vector<16xf32>,
        %mul3A_409 = arith.mulf %gather3A_405, %get3A_408 : vector<16xf32>
        %swap3A_410 = arith.index_cast %scan3A_264 : i32 to index
        %swap3A_411 = arith.constant 32 : index
        %swap3A_412 = tpu.vector_load %arg14[%swap3A_410, %swap3A_411] {strides = array<i32>} : memref<80x80xf32, #tpu.memory_space<vmem>>, vector<16xf32>,
        tpu.vector_store %arg14[%swap3A_410, %swap3A_411], %mul3A_409 {strides = array<i32>} : memref<80x80xf32, #tpu.memory_space<vmem>>, vector<16xf32>,
        %broadcast_in_dim3A_413 = arith.constant 3 : i32
        %broadcast_in_dim3A_414 = vector.broadcast %broadcast_in_dim3A_413 : i32 to vector<16x1xi32>
        %gather3A_415 = vector.shape_cast %broadcast_in_dim3A_414 : vector<16x1xi32> to vector<16xi32>
        %gather3A_416 = tpu.dynamic_gather %select_n3A_376[%gather3A_415] in [0] : vector<16xf32>, vector<16xi32> -> vector<16xf32>
        %get3A_417 = arith.index_cast %scan3A_264 : i32 to index
        %get3A_418 = arith.constant 112 : index
        %get3A_419 = tpu.vector_load %arg13[%get3A_417, %get3A_418] {strides = array<i32>} : memref<80x128xf32, #tpu.memory_space<vmem>>, vector<16xf32>,
        %mul3A_420 = arith.mulf %gather3A_416, %get3A_419 : vector<16xf32>
        %swap3A_421 = arith.index_cast %scan3A_264 : i32 to index
        %swap3A_422 = arith.constant 48 : index
        %swap3A_423 = tpu.vector_load %arg14[%swap3A_421, %swap3A_422] {strides = array<i32>} : memref<80x80xf32, #tpu.memory_space<vmem>>, vector<16xf32>,
        tpu.vector_store %arg14[%swap3A_421, %swap3A_422], %mul3A_420 {strides = array<i32>} : memref<80x80xf32, #tpu.memory_space<vmem>>, vector<16xf32>,
      }
      %scan3A_233 = arith.constant 80 : i32
      %get3A_234 = arith.constant 0 : index
      %get3A_235 = tpu.vector_load %arg10[%get3A_234] {strides = array<i32>} : memref<80xi32, #tpu.memory_space<vmem>>, vector<16xi32>,
      %sub3A_236 = vector.broadcast %mul3A_2 : i32 to vector<16xi32>
      %sub3A_237 = arith.subi %get3A_235, %sub3A_236 : vector<16xi32>
      %swap3A_238 = arith.constant 0 : index
      %swap3A_239 = tpu.vector_load %arg10[%swap3A_238] {strides = array<i32>} : memref<80xi32, #tpu.memory_space<vmem>>, vector<16xi32>,
      tpu.vector_store %arg10[%swap3A_238], %sub3A_237 {strides = array<i32>} : memref<80xi32, #tpu.memory_space<vmem>>, vector<16xi32>,
      %get3A_240 = arith.constant 16 : index
      %get3A_241 = tpu.vector_load %arg10[%get3A_240] {strides = array<i32>} : memref<80xi32, #tpu.memory_space<vmem>>, vector<16xi32>,
      %sub3A_242 = vector.broadcast %mul3A_2 : i32 to vector<16xi32>
      %sub3A_243 = arith.subi %get3A_241, %sub3A_242 : vector<16xi32>
      %swap3A_244 = arith.constant 16 : index
      %swap3A_245 = tpu.vector_load %arg10[%swap3A_244] {strides = array<i32>} : memref<80xi32, #tpu.memory_space<vmem>>, vector<16xi32>,
      tpu.vector_store %arg10[%swap3A_244], %sub3A_243 {strides = array<i32>} : memref<80xi32, #tpu.memory_space<vmem>>, vector<16xi32>,
      %get3A_246 = arith.constant 32 : index
      %get3A_247 = tpu.vector_load %arg10[%get3A_246] {strides = array<i32>} : memref<80xi32, #tpu.memory_space<vmem>>, vector<16xi32>,
      %sub3A_248 = vector.broadcast %mul3A_2 : i32 to vector<16xi32>
      %sub3A_249 = arith.subi %get3A_247, %sub3A_248 : vector<16xi32>
      %swap3A_250 = arith.constant 32 : index
      %swap3A_251 = tpu.vector_load %arg10[%swap3A_250] {strides = array<i32>} : memref<80xi32, #tpu.memory_space<vmem>>, vector<16xi32>,
      tpu.vector_store %arg10[%swap3A_250], %sub3A_249 {strides = array<i32>} : memref<80xi32, #tpu.memory_space<vmem>>, vector<16xi32>,
      %get3A_252 = arith.constant 48 : index
      %get3A_253 = tpu.vector_load %arg10[%get3A_252] {strides = array<i32>} : memref<80xi32, #tpu.memory_space<vmem>>, vector<16xi32>,
      %sub3A_254 = vector.broadcast %mul3A_2 : i32 to vector<16xi32>
      %sub3A_255 = arith.subi %get3A_253, %sub3A_254 : vector<16xi32>
      %swap3A_256 = arith.constant 48 : index
      %swap3A_257 = tpu.vector_load %arg10[%swap3A_256] {strides = array<i32>} : memref<80xi32, #tpu.memory_space<vmem>>, vector<16xi32>,
      tpu.vector_store %arg10[%swap3A_256], %sub3A_255 {strides = array<i32>} : memref<80xi32, #tpu.memory_space<vmem>>, vector<16xi32>,
      %get3A_258 = arith.constant 64 : index
      %get3A_259 = tpu.vector_load %arg10[%get3A_258] {strides = array<i32>} : memref<80xi32, #tpu.memory_space<vmem>>, vector<16xi32>,
      %sub3A_260 = vector.broadcast %mul3A_2 : i32 to vector<16xi32>
      %sub3A_261 = arith.subi %get3A_259, %sub3A_260 : vector<16xi32>
      %swap3A_262 = arith.constant 64 : index
      %swap3A_263 = tpu.vector_load %arg10[%swap3A_262] {strides = array<i32>} : memref<80xi32, #tpu.memory_space<vmem>>, vector<16xi32>,
      tpu.vector_store %arg10[%swap3A_262], %sub3A_261 {strides = array<i32>} : memref<80xi32, #tpu.memory_space<vmem>>, vector<16xi32>,
      "tpu.region"() ({
        %run_scoped3A = tpu.sem_alloc : memref<!tpu.dma_semaphore, #tpu.memory_space<semaphore_mem>>
        %dma_start3A_264 = arith.constant 0 : i32
        %dma_start3A_265 = arith.constant 0 : i32
        %dma_start3A_266 = tpu.memref_slice %arg17[%dma_start3A_264, %dma_start3A_265] : memref<10240x80xf32, #tpu.memory_space<vmem_shared>> -> memref<10240x80xf32, #tpu.memory_space<vmem_shared>>
        tpu.enqueue_indirect_dma source(%arg14 : memref<80x80xf32, #tpu.memory_space<vmem>>) target(%dma_start3A_266 : memref<10240x80xf32, #tpu.memory_space<vmem_shared>>) offsets(%arg10 : memref<80xi32, #tpu.memory_space<vmem>>) semaphore(%run_scoped3A : memref<!tpu.dma_semaphore, #tpu.memory_space<semaphore_mem>>) {add = true}
        %dma_wait3A_267 = arith.constant 0 : i32
        %dma_wait3A_268 = arith.constant 0 : i32
        %dma_wait3A_269 = tpu.memref_slice %arg17[%dma_wait3A_267, %dma_wait3A_268] : memref<10240x80xf32, #tpu.memory_space<vmem_shared>> -> memref<10240x80xf32, #tpu.memory_space<vmem_shared>>
        tpu.wait_indirect_dma semaphore(%run_scoped3A : memref<!tpu.dma_semaphore, #tpu.memory_space<semaphore_mem>>) src(%arg14 : memref<80x80xf32, #tpu.memory_space<vmem>>) dst(%dma_wait3A_269 : memref<10240x80xf32, #tpu.memory_space<vmem_shared>>)
        tpu.yield
      }) : () -> ()
    }
    %scan3A_146 = arith.constant 250 : i32
    %barrier3A_147 = arith.constant 0 : index
    tpu.barrier barrier_id(%barrier3A_147)
    %while3A = arith.constant 0 : i32
    %while3A_148 = arith.subi %min3A_141, %while3A : i32
    %while3A_149 = arith.addi %while3A, %while3A_148 : i32
    %while3A_150 = arith.constant 1 : i32
    %while3A_151 = arith.divsi %while3A_148, %while3A_150 : i32
    %while3A_152 = arith.muli %while3A_151, %while3A_150 : i32
    %while3A_153 = arith.addi %while3A, %while3A_152 : i32
    %while3A_154 = arith.constant 1 : i32
    scf.for %while3A_156 = %while3A to %while3A_153 step %while3A_154  : i32 {
      %mul3A_157 = arith.constant 80 : i32
      %mul3A_158 = arith.muli %while3A_156, %mul3A_157 : i32
      %add3A_159 = arith.addi %mul3A_102, %mul3A_158 : i32
      "tpu.region"() ({
        %run_scoped3A = tpu.sem_alloc : memref<!tpu.dma_semaphore, #tpu.memory_space<semaphore_mem>>
        %dma_start3A = arith.constant 0 : i32
        %dma_start3A_160 = tpu.memref_slice %arg17[%add3A_159, %dma_start3A] : memref<10240x80xf32, #tpu.memory_space<vmem_shared>> -> memref<80x80xf32, #tpu.memory_space<vmem_shared>>
        %dma_start3A_161 = arith.constant 0 : i32
        %dma_start3A_162 = tpu.memref_slice %arg17[%add3A_159, %dma_start3A_161] : memref<10240x80xf32, #tpu.memory_space<vmem_shared>> -> memref<80x80xf32, #tpu.memory_space<vmem_shared>>
        tpu.enqueue_dma source(%dma_start3A_162 : memref<80x80xf32, #tpu.memory_space<vmem_shared>>) target(%arg16 : memref<80x80xf32, #tpu.memory_space<vmem>>) target_semaphore(%run_scoped3A : memref<!tpu.dma_semaphore, #tpu.memory_space<semaphore_mem>>)
        %dma_wait3A = arith.constant 0 : i32
        %dma_wait3A_163 = tpu.memref_slice %arg17[%add3A_159, %dma_wait3A] : memref<10240x80xf32, #tpu.memory_space<vmem_shared>> -> memref<80x80xf32, #tpu.memory_space<vmem_shared>>
        %dma_wait3A_164 = arith.constant 0 : i32
        %dma_wait3A_165 = tpu.memref_slice %arg17[%add3A_159, %dma_wait3A_164] : memref<10240x80xf32, #tpu.memory_space<vmem_shared>> -> memref<80x80xf32, #tpu.memory_space<vmem_shared>>
        tpu.wait_dma2 semaphore(%run_scoped3A : memref<!tpu.dma_semaphore, #tpu.memory_space<semaphore_mem>>) src(%dma_wait3A_165 : memref<80x80xf32, #tpu.memory_space<vmem_shared>>) dst(%arg16 : memref<80x80xf32, #tpu.memory_space<vmem>>)
        tpu.yield
      }) : () -> ()
      "tpu.region"() ({
        %run_scoped3A = tpu.sem_alloc : memref<!tpu.dma_semaphore, #tpu.memory_space<semaphore_mem>>
        %dma_start3A = arith.constant 0 : i32
        %dma_start3A_160 = tpu.memref_slice %arg8[%arg0, %add3A_159, %dma_start3A] : memref<2x10000x80xf32, #tpu.memory_space<hbm>> -> memref<1x80x80xf32, #tpu.memory_space<hbm>>
        %dma_start3A_161 = tpu.memref_squeeze %dma_start3A_160 : memref<1x80x80xf32, #tpu.memory_space<hbm>> -> memref<80x80xf32, #tpu.memory_space<hbm>>
        %dma_start3A_162 = arith.constant 0 : i32
        %dma_start3A_163 = tpu.memref_slice %arg8[%arg0, %add3A_159, %dma_start3A_162] : memref<2x10000x80xf32, #tpu.memory_space<hbm>> -> memref<1x80x80xf32, #tpu.memory_space<hbm>>
        %dma_start3A_164 = tpu.memref_squeeze %dma_start3A_163 : memref<1x80x80xf32, #tpu.memory_space<hbm>> -> memref<80x80xf32, #tpu.memory_space<hbm>>
        tpu.enqueue_dma source(%arg16 : memref<80x80xf32, #tpu.memory_space<vmem>>) target(%dma_start3A_164 : memref<80x80xf32, #tpu.memory_space<hbm>>) target_semaphore(%run_scoped3A : memref<!tpu.dma_semaphore, #tpu.memory_space<semaphore_mem>>)
        %dma_wait3A = arith.constant 0 : i32
        %dma_wait3A_165 = tpu.memref_slice %arg8[%arg0, %add3A_159, %dma_wait3A] : memref<2x10000x80xf32, #tpu.memory_space<hbm>> -> memref<1x80x80xf32, #tpu.memory_space<hbm>>
        %dma_wait3A_166 = tpu.memref_squeeze %dma_wait3A_165 : memref<1x80x80xf32, #tpu.memory_space<hbm>> -> memref<80x80xf32, #tpu.memory_space<hbm>>
        %dma_wait3A_167 = arith.constant 0 : i32
        %dma_wait3A_168 = tpu.memref_slice %arg8[%arg0, %add3A_159, %dma_wait3A_167] : memref<2x10000x80xf32, #tpu.memory_space<hbm>> -> memref<1x80x80xf32, #tpu.memory_space<hbm>>
        %dma_wait3A_169 = tpu.memref_squeeze %dma_wait3A_168 : memref<1x80x80xf32, #tpu.memory_space<hbm>> -> memref<80x80xf32, #tpu.memory_space<hbm>>
        tpu.wait_dma2 semaphore(%run_scoped3A : memref<!tpu.dma_semaphore, #tpu.memory_space<semaphore_mem>>) src(%arg16 : memref<80x80xf32, #tpu.memory_space<vmem>>) dst(%dma_wait3A_169 : memref<80x80xf32, #tpu.memory_space<hbm>>)
        tpu.yield
      }) : () -> ()
    }
    %while3A_155 = arith.constant 1 : i32
    scf.for %while3A_156 = %while3A_153 to %while3A_149 step %while3A_155  : i32 {
      %mul3A_157 = arith.constant 80 : i32
      %mul3A_158 = arith.muli %while3A_156, %mul3A_157 : i32
      %add3A_159 = arith.addi %mul3A_102, %mul3A_158 : i32
      "tpu.region"() ({
        %run_scoped3A = tpu.sem_alloc : memref<!tpu.dma_semaphore, #tpu.memory_space<semaphore_mem>>
        %dma_start3A = arith.constant 0 : i32
        %dma_start3A_160 = tpu.memref_slice %arg17[%add3A_159, %dma_start3A] : memref<10240x80xf32, #tpu.memory_space<vmem_shared>> -> memref<80x80xf32, #tpu.memory_space<vmem_shared>>
        %dma_start3A_161 = arith.constant 0 : i32
        %dma_start3A_162 = tpu.memref_slice %arg17[%add3A_159, %dma_start3A_161] : memref<10240x80xf32, #tpu.memory_space<vmem_shared>> -> memref<80x80xf32, #tpu.memory_space<vmem_shared>>
        tpu.enqueue_dma source(%dma_start3A_162 : memref<80x80xf32, #tpu.memory_space<vmem_shared>>) target(%arg16 : memref<80x80xf32, #tpu.memory_space<vmem>>) target_semaphore(%run_scoped3A : memref<!tpu.dma_semaphore, #tpu.memory_space<semaphore_mem>>)
        %dma_wait3A = arith.constant 0 : i32
        %dma_wait3A_163 = tpu.memref_slice %arg17[%add3A_159, %dma_wait3A] : memref<10240x80xf32, #tpu.memory_space<vmem_shared>> -> memref<80x80xf32, #tpu.memory_space<vmem_shared>>
        %dma_wait3A_164 = arith.constant 0 : i32
        %dma_wait3A_165 = tpu.memref_slice %arg17[%add3A_159, %dma_wait3A_164] : memref<10240x80xf32, #tpu.memory_space<vmem_shared>> -> memref<80x80xf32, #tpu.memory_space<vmem_shared>>
        tpu.wait_dma2 semaphore(%run_scoped3A : memref<!tpu.dma_semaphore, #tpu.memory_space<semaphore_mem>>) src(%dma_wait3A_165 : memref<80x80xf32, #tpu.memory_space<vmem_shared>>) dst(%arg16 : memref<80x80xf32, #tpu.memory_space<vmem>>)
        tpu.yield
      }) : () -> ()
      "tpu.region"() ({
        %run_scoped3A = tpu.sem_alloc : memref<!tpu.dma_semaphore, #tpu.memory_space<semaphore_mem>>
        %dma_start3A = arith.constant 0 : i32
        %dma_start3A_160 = tpu.memref_slice %arg8[%arg0, %add3A_159, %dma_start3A] : memref<2x10000x80xf32, #tpu.memory_space<hbm>> -> memref<1x80x80xf32, #tpu.memory_space<hbm>>
        %dma_start3A_161 = tpu.memref_squeeze %dma_start3A_160 : memref<1x80x80xf32, #tpu.memory_space<hbm>> -> memref<80x80xf32, #tpu.memory_space<hbm>>
        %dma_start3A_162 = arith.constant 0 : i32
        %dma_start3A_163 = tpu.memref_slice %arg8[%arg0, %add3A_159, %dma_start3A_162] : memref<2x10000x80xf32, #tpu.memory_space<hbm>> -> memref<1x80x80xf32, #tpu.memory_space<hbm>>
        %dma_start3A_164 = tpu.memref_squeeze %dma_start3A_163 : memref<1x80x80xf32, #tpu.memory_space<hbm>> -> memref<80x80xf32, #tpu.memory_space<hbm>>
        tpu.enqueue_dma source(%arg16 : memref<80x80xf32, #tpu.memory_space<vmem>>) target(%dma_start3A_164 : memref<80x80xf32, #tpu.memory_space<hbm>>) target_semaphore(%run_scoped3A : memref<!tpu.dma_semaphore, #tpu.memory_space<semaphore_mem>>)
        %dma_wait3A = arith.constant 0 : i32
        %dma_wait3A_165 = tpu.memref_slice %arg8[%arg0, %add3A_159, %dma_wait3A] : memref<2x10000x80xf32, #tpu.memory_space<hbm>> -> memref<1x80x80xf32, #tpu.memory_space<hbm>>
        %dma_wait3A_166 = tpu.memref_squeeze %dma_wait3A_165 : memref<1x80x80xf32, #tpu.memory_space<hbm>> -> memref<80x80xf32, #tpu.memory_space<hbm>>
        %dma_wait3A_167 = arith.constant 0 : i32
        %dma_wait3A_168 = tpu.memref_slice %arg8[%arg0, %add3A_159, %dma_wait3A_167] : memref<2x10000x80xf32, #tpu.memory_space<hbm>> -> memref<1x80x80xf32, #tpu.memory_space<hbm>>
        %dma_wait3A_169 = tpu.memref_squeeze %dma_wait3A_168 : memref<1x80x80xf32, #tpu.memory_space<hbm>> -> memref<80x80xf32, #tpu.memory_space<hbm>>
        tpu.wait_dma2 semaphore(%run_scoped3A : memref<!tpu.dma_semaphore, #tpu.memory_space<semaphore_mem>>) src(%arg16 : memref<80x80xf32, #tpu.memory_space<vmem>>) dst(%dma_wait3A_169 : memref<80x80xf32, #tpu.memory_space<hbm>>)
        tpu.yield
      }) : () -> ()
    }
    return
  }
}

module attributes {stable_mosaic.version = 14 : i64} {
  func.func @_qkv_body(%arg0: i32, %arg1: memref<2000x128xf32, #tpu.memory_space<vmem>>, %arg2: memref<128x128xf32, #tpu.memory_space<vmem>>, %arg3: memref<128x128xf32, #tpu.memory_space<vmem>>, %arg4: memref<128x128xf32, #tpu.memory_space<vmem>>, %arg5: memref<1x128xf32, #tpu.memory_space<vmem>>, %arg6: memref<1x128xf32, #tpu.memory_space<vmem>>, %arg7: memref<1x128xf32, #tpu.memory_space<vmem>>, %arg8: memref<2x2000x64xf32, #tpu.memory_space<vmem>>, %arg9: memref<2x2000x128xf32, #tpu.memory_space<vmem>>) attributes {dimension_semantics = [#tpu.dimension_semantics<arbitrary>], iteration_bounds = array<i64: 5>, scalar_prefetch = 0 : i64, scratch_operands = 0 : i64, tpu.core_type = #tpu.core_type<tc>, window_params = [{transform_indices = @transform_0, window_bounds = array<i64: 2000, 128>}, {pipeline_mode = #tpu.pipeline_mode<synchronous>, transform_indices = @transform_1, window_bounds = array<i64: 128, 128>}, {pipeline_mode = #tpu.pipeline_mode<synchronous>, transform_indices = @transform_2, window_bounds = array<i64: 128, 128>}, {pipeline_mode = #tpu.pipeline_mode<synchronous>, transform_indices = @transform_3, window_bounds = array<i64: 128, 128>}, {pipeline_mode = #tpu.pipeline_mode<synchronous>, transform_indices = @transform_4, window_bounds = array<i64: 1, 128>}, {pipeline_mode = #tpu.pipeline_mode<synchronous>, transform_indices = @transform_5, window_bounds = array<i64: 1, 128>}, {pipeline_mode = #tpu.pipeline_mode<synchronous>, transform_indices = @transform_6, window_bounds = array<i64: 1, 128>}, {transform_indices = @transform_7, window_bounds = array<i64: 2, 2000, 64>}, {transform_indices = @transform_8, window_bounds = array<i64: 2, 2000, 128>}]} {
    %get3A = arith.constant 0 : index
    %get3A_0 = arith.constant 0 : index
    %get3A_1 = vector.load %arg1[%get3A, %get3A_0] : memref<2000x128xf32, #tpu.memory_space<vmem>>, vector<2000x128xf32>
    %get3A_2 = arith.constant 0 : index
    %get3A_3 = arith.constant 0 : index
    %get3A_4 = vector.load %arg2[%get3A_2, %get3A_3] : memref<128x128xf32, #tpu.memory_space<vmem>>, vector<128x128xf32>
    %dot_general3A = arith.constant dense<0.000000e+00> : vector<2000x128xf32>
    %dot_general3A_5 = tpu.matmul %get3A_1, %get3A_4, %dot_general3A {dimension_numbers = #tpu.dot_dimension_numbers<[1], [0], [0], [1], [0, 0, 1, 1], [], []>, transpose_lhs_hint = false} : vector<2000x128xf32>, vector<128x128xf32>, vector<2000x128xf32> -> vector<2000x128xf32>
    %get3A_6 = arith.constant 0 : index
    %get3A_7 = arith.constant 0 : index
    %get3A_8 = vector.load %arg5[%get3A_6, %get3A_7] : memref<1x128xf32, #tpu.memory_space<vmem>>, vector<1x128xf32>
    %add3A = vector.broadcast %get3A_8 : vector<1x128xf32> to vector<2000x128xf32>
    %add3A_9 = arith.addf %dot_general3A_5, %add3A : vector<2000x128xf32>
    %get3A_10 = arith.constant 0 : index
    %get3A_11 = arith.constant 0 : index
    %get3A_12 = vector.load %arg3[%get3A_10, %get3A_11] : memref<128x128xf32, #tpu.memory_space<vmem>>, vector<128x128xf32>
    %dot_general3A_13 = arith.constant dense<0.000000e+00> : vector<2000x128xf32>
    %dot_general3A_14 = tpu.matmul %get3A_1, %get3A_12, %dot_general3A_13 {dimension_numbers = #tpu.dot_dimension_numbers<[1], [0], [0], [1], [0, 0, 1, 1], [], []>, transpose_lhs_hint = false} : vector<2000x128xf32>, vector<128x128xf32>, vector<2000x128xf32> -> vector<2000x128xf32>
    %get3A_15 = arith.constant 0 : index
    %get3A_16 = arith.constant 0 : index
    %get3A_17 = vector.load %arg6[%get3A_15, %get3A_16] : memref<1x128xf32, #tpu.memory_space<vmem>>, vector<1x128xf32>
    %add3A_18 = vector.broadcast %get3A_17 : vector<1x128xf32> to vector<2000x128xf32>
    %add3A_19 = arith.addf %dot_general3A_14, %add3A_18 : vector<2000x128xf32>
    %get3A_20 = arith.constant 0 : index
    %get3A_21 = arith.constant 0 : index
    %get3A_22 = vector.load %arg4[%get3A_20, %get3A_21] : memref<128x128xf32, #tpu.memory_space<vmem>>, vector<128x128xf32>
    %dot_general3A_23 = arith.constant dense<0.000000e+00> : vector<2000x128xf32>
    %dot_general3A_24 = tpu.matmul %get3A_1, %get3A_22, %dot_general3A_23 {dimension_numbers = #tpu.dot_dimension_numbers<[1], [0], [0], [1], [0, 0, 1, 1], [], []>, transpose_lhs_hint = false} : vector<2000x128xf32>, vector<128x128xf32>, vector<2000x128xf32> -> vector<2000x128xf32>
    %get3A_25 = arith.constant 0 : index
    %get3A_26 = arith.constant 0 : index
    %get3A_27 = vector.load %arg7[%get3A_25, %get3A_26] : memref<1x128xf32, #tpu.memory_space<vmem>>, vector<1x128xf32>
    %add3A_28 = vector.broadcast %get3A_27 : vector<1x128xf32> to vector<2000x128xf32>
    %add3A_29 = arith.addf %dot_general3A_24, %add3A_28 : vector<2000x128xf32>
    %slice3A = vector.extract_strided_slice %add3A_9 {offsets = [0, 0], sizes = [2000, 64], strides = [1, 1]} : vector<2000x128xf32> to vector<2000x64xf32>
    %swap3A = arith.constant 0 : index
    %swap3A_30 = arith.constant 0 : index
    %swap3A_31 = arith.constant 0 : index
    %swap3A_32 = vector.load %arg8[%swap3A, %swap3A_30, %swap3A_31] : memref<2x2000x64xf32, #tpu.memory_space<vmem>>, vector<1x2000x64xf32>
    %swap3A_33 = vector.shape_cast %swap3A_32 : vector<1x2000x64xf32> to vector<2000x64xf32>
    %swap3A_34 = vector.shape_cast %slice3A : vector<2000x64xf32> to vector<1x2000x64xf32>
    tpu.vector_store %arg8[%swap3A, %swap3A_30, %swap3A_31], %swap3A_34 {strides = array<i32>} : memref<2x2000x64xf32, #tpu.memory_space<vmem>>, vector<1x2000x64xf32>,
    %slice3A_35 = vector.extract_strided_slice %add3A_9 {offsets = [0, 64], sizes = [2000, 64], strides = [1, 1]} : vector<2000x128xf32> to vector<2000x64xf32>
    %swap3A_36 = arith.constant 1 : index
    %swap3A_37 = arith.constant 0 : index
    %swap3A_38 = arith.constant 0 : index
    %swap3A_39 = vector.load %arg8[%swap3A_36, %swap3A_37, %swap3A_38] : memref<2x2000x64xf32, #tpu.memory_space<vmem>>, vector<1x2000x64xf32>
    %swap3A_40 = vector.shape_cast %swap3A_39 : vector<1x2000x64xf32> to vector<2000x64xf32>
    %swap3A_41 = vector.shape_cast %slice3A_35 : vector<2000x64xf32> to vector<1x2000x64xf32>
    tpu.vector_store %arg8[%swap3A_36, %swap3A_37, %swap3A_38], %swap3A_41 {strides = array<i32>} : memref<2x2000x64xf32, #tpu.memory_space<vmem>>, vector<1x2000x64xf32>,
    %slice3A_42 = vector.extract_strided_slice %add3A_19 {offsets = [0, 0], sizes = [2000, 64], strides = [1, 1]} : vector<2000x128xf32> to vector<2000x64xf32>
    %swap3A_43 = arith.constant 0 : index
    %swap3A_44 = arith.constant 0 : index
    %swap3A_45 = arith.constant 0 : index
    %swap3A_46 = vector.load %arg9[%swap3A_43, %swap3A_44, %swap3A_45] : memref<2x2000x128xf32, #tpu.memory_space<vmem>>, vector<1x2000x64xf32>
    %swap3A_47 = vector.shape_cast %swap3A_46 : vector<1x2000x64xf32> to vector<2000x64xf32>
    %swap3A_48 = vector.shape_cast %slice3A_42 : vector<2000x64xf32> to vector<1x2000x64xf32>
    tpu.vector_store %arg9[%swap3A_43, %swap3A_44, %swap3A_45], %swap3A_48 {strides = array<i32>} : memref<2x2000x128xf32, #tpu.memory_space<vmem>>, vector<1x2000x64xf32>,
    %slice3A_49 = vector.extract_strided_slice %add3A_29 {offsets = [0, 0], sizes = [2000, 64], strides = [1, 1]} : vector<2000x128xf32> to vector<2000x64xf32>
    %swap3A_50 = arith.constant 0 : index
    %swap3A_51 = arith.constant 0 : index
    %swap3A_52 = arith.constant 64 : index
    %swap3A_53 = vector.load %arg9[%swap3A_50, %swap3A_51, %swap3A_52] : memref<2x2000x128xf32, #tpu.memory_space<vmem>>, vector<1x2000x64xf32>
    %swap3A_54 = vector.shape_cast %swap3A_53 : vector<1x2000x64xf32> to vector<2000x64xf32>
    %swap3A_55 = vector.shape_cast %slice3A_49 : vector<2000x64xf32> to vector<1x2000x64xf32>
    tpu.vector_store %arg9[%swap3A_50, %swap3A_51, %swap3A_52], %swap3A_55 {strides = array<i32>} : memref<2x2000x128xf32, #tpu.memory_space<vmem>>, vector<1x2000x64xf32>,
    %slice3A_56 = vector.extract_strided_slice %add3A_19 {offsets = [0, 64], sizes = [2000, 64], strides = [1, 1]} : vector<2000x128xf32> to vector<2000x64xf32>
    %swap3A_57 = arith.constant 1 : index
    %swap3A_58 = arith.constant 0 : index
    %swap3A_59 = arith.constant 0 : index
    %swap3A_60 = vector.load %arg9[%swap3A_57, %swap3A_58, %swap3A_59] : memref<2x2000x128xf32, #tpu.memory_space<vmem>>, vector<1x2000x64xf32>
    %swap3A_61 = vector.shape_cast %swap3A_60 : vector<1x2000x64xf32> to vector<2000x64xf32>
    %swap3A_62 = vector.shape_cast %slice3A_56 : vector<2000x64xf32> to vector<1x2000x64xf32>
    tpu.vector_store %arg9[%swap3A_57, %swap3A_58, %swap3A_59], %swap3A_62 {strides = array<i32>} : memref<2x2000x128xf32, #tpu.memory_space<vmem>>, vector<1x2000x64xf32>,
    %slice3A_63 = vector.extract_strided_slice %add3A_29 {offsets = [0, 64], sizes = [2000, 64], strides = [1, 1]} : vector<2000x128xf32> to vector<2000x64xf32>
    %swap3A_64 = arith.constant 1 : index
    %swap3A_65 = arith.constant 0 : index
    %swap3A_66 = arith.constant 64 : index
    %swap3A_67 = vector.load %arg9[%swap3A_64, %swap3A_65, %swap3A_66] : memref<2x2000x128xf32, #tpu.memory_space<vmem>>, vector<1x2000x64xf32>
    %swap3A_68 = vector.shape_cast %swap3A_67 : vector<1x2000x64xf32> to vector<2000x64xf32>
    %swap3A_69 = vector.shape_cast %slice3A_63 : vector<2000x64xf32> to vector<1x2000x64xf32>
    tpu.vector_store %arg9[%swap3A_64, %swap3A_65, %swap3A_66], %swap3A_69 {strides = array<i32>} : memref<2x2000x128xf32, #tpu.memory_space<vmem>>, vector<1x2000x64xf32>,
    return
  }
  func.func @transform_0(%arg0: i32) -> (i32, i32) {
    %c0_i32 = arith.constant 0 : i32
    %c0_i32_0 = arith.constant 0 : i32
    return %arg0, %c0_i32 : i32, i32
  }
  func.func @transform_1(%arg0: i32) -> (i32, i32) {
    %c0_i32 = arith.constant 0 : i32
    %c0_i32_0 = arith.constant 0 : i32
    %c0_i32_1 = arith.constant 0 : i32
    return %c0_i32, %c0_i32_0 : i32, i32
  }
  func.func @transform_2(%arg0: i32) -> (i32, i32) {
    %c0_i32 = arith.constant 0 : i32
    %c0_i32_0 = arith.constant 0 : i32
    %c0_i32_1 = arith.constant 0 : i32
    return %c0_i32, %c0_i32_0 : i32, i32
  }
  func.func @transform_3(%arg0: i32) -> (i32, i32) {
    %c0_i32 = arith.constant 0 : i32
    %c0_i32_0 = arith.constant 0 : i32
    %c0_i32_1 = arith.constant 0 : i32
    return %c0_i32, %c0_i32_0 : i32, i32
  }
  func.func @transform_4(%arg0: i32) -> (i32, i32) {
    %c0_i32 = arith.constant 0 : i32
    %c0_i32_0 = arith.constant 0 : i32
    %c0_i32_1 = arith.constant 0 : i32
    return %c0_i32, %c0_i32_0 : i32, i32
  }
  func.func @transform_5(%arg0: i32) -> (i32, i32) {
    %c0_i32 = arith.constant 0 : i32
    %c0_i32_0 = arith.constant 0 : i32
    %c0_i32_1 = arith.constant 0 : i32
    return %c0_i32, %c0_i32_0 : i32, i32
  }
  func.func @transform_6(%arg0: i32) -> (i32, i32) {
    %c0_i32 = arith.constant 0 : i32
    %c0_i32_0 = arith.constant 0 : i32
    %c0_i32_1 = arith.constant 0 : i32
    return %c0_i32, %c0_i32_0 : i32, i32
  }
  func.func @transform_7(%arg0: i32) -> (i32, i32, i32) {
    %c0_i32 = arith.constant 0 : i32
    %c0_i32_0 = arith.constant 0 : i32
    %c0_i32_1 = arith.constant 0 : i32
    return %c0_i32, %arg0, %c0_i32_0 : i32, i32, i32
  }
  func.func @transform_8(%arg0: i32) -> (i32, i32, i32) {
    %c0_i32 = arith.constant 0 : i32
    %c0_i32_0 = arith.constant 0 : i32
    %c0_i32_1 = arith.constant 0 : i32
    return %c0_i32, %arg0, %c0_i32_0 : i32, i32, i32
  }
}

module attributes {stable_mosaic.version = 14 : i64} {
  func.func @_post_body(%arg0: i32, %arg1: memref<2x2000x80xf32, #tpu.memory_space<vmem>>, %arg2: memref<2000x128xf32, #tpu.memory_space<vmem>>, %arg3: memref<128x128xf32, #tpu.memory_space<vmem>>, %arg4: memref<1x128xf32, #tpu.memory_space<vmem>>, %arg5: memref<128x128xf32, #tpu.memory_space<vmem>>, %arg6: memref<1x128xf32, #tpu.memory_space<vmem>>, %arg7: memref<128x128xf32, #tpu.memory_space<vmem>>, %arg8: memref<1x128xf32, #tpu.memory_space<vmem>>, %arg9: memref<1x128xf32, #tpu.memory_space<vmem>>, %arg10: memref<1x128xf32, #tpu.memory_space<vmem>>, %arg11: memref<1x128xf32, #tpu.memory_space<vmem>>, %arg12: memref<1x128xf32, #tpu.memory_space<vmem>>, %arg13: memref<2000x128xf32, #tpu.memory_space<vmem>>) attributes {dimension_semantics = [#tpu.dimension_semantics<arbitrary>], iteration_bounds = array<i64: 5>, scalar_prefetch = 0 : i64, scratch_operands = 0 : i64, tpu.core_type = #tpu.core_type<tc>, window_params = [{transform_indices = @transform_0, window_bounds = array<i64: 2, 2000, 80>}, {transform_indices = @transform_1, window_bounds = array<i64: 2000, 128>}, {pipeline_mode = #tpu.pipeline_mode<synchronous>, transform_indices = @transform_2, window_bounds = array<i64: 128, 128>}, {pipeline_mode = #tpu.pipeline_mode<synchronous>, transform_indices = @transform_3, window_bounds = array<i64: 1, 128>}, {pipeline_mode = #tpu.pipeline_mode<synchronous>, transform_indices = @transform_4, window_bounds = array<i64: 128, 128>}, {pipeline_mode = #tpu.pipeline_mode<synchronous>, transform_indices = @transform_5, window_bounds = array<i64: 1, 128>}, {pipeline_mode = #tpu.pipeline_mode<synchronous>, transform_indices = @transform_6, window_bounds = array<i64: 128, 128>}, {pipeline_mode = #tpu.pipeline_mode<synchronous>, transform_indices = @transform_7, window_bounds = array<i64: 1, 128>}, {pipeline_mode = #tpu.pipeline_mode<synchronous>, transform_indices = @transform_8, window_bounds = array<i64: 1, 128>}, {pipeline_mode = #tpu.pipeline_mode<synchronous>, transform_indices = @transform_9, window_bounds = array<i64: 1, 128>}, {pipeline_mode = #tpu.pipeline_mode<synchronous>, transform_indices = @transform_10, window_bounds = array<i64: 1, 128>}, {pipeline_mode = #tpu.pipeline_mode<synchronous>, transform_indices = @transform_11, window_bounds = array<i64: 1, 128>}, {transform_indices = @transform_12, window_bounds = array<i64: 2000, 128>}]} {
    %get3A = arith.constant 0 : index
    %get3A_0 = arith.constant 0 : index
    %get3A_1 = arith.constant 0 : index
    %get3A_2 = vector.load %arg1[%get3A, %get3A_0, %get3A_1] : memref<2x2000x80xf32, #tpu.memory_space<vmem>>, vector<1x2000x80xf32>
    %get3A_3 = vector.shape_cast %get3A_2 : vector<1x2000x80xf32> to vector<2000x80xf32>
    %get3A_4 = arith.constant 1 : index
    %get3A_5 = arith.constant 0 : index
    %get3A_6 = arith.constant 0 : index
    %get3A_7 = vector.load %arg1[%get3A_4, %get3A_5, %get3A_6] : memref<2x2000x80xf32, #tpu.memory_space<vmem>>, vector<1x2000x80xf32>
    %get3A_8 = vector.shape_cast %get3A_7 : vector<1x2000x80xf32> to vector<2000x80xf32>
    %slice3A = vector.extract_strided_slice %get3A_3 {offsets = [0, 0], sizes = [2000, 64], strides = [1, 1]} : vector<2000x80xf32> to vector<2000x64xf32>
    %slice3A_9 = vector.extract_strided_slice %get3A_8 {offsets = [0, 0], sizes = [2000, 64], strides = [1, 1]} : vector<2000x80xf32> to vector<2000x64xf32>
    %concatenate3A = tpu.concatenate %slice3A, %slice3A_9 in 1 : vector<2000x64xf32>, vector<2000x64xf32> -> vector<2000x128xf32>
    %slice3A_10 = vector.extract_strided_slice %get3A_3 {offsets = [0, 64], sizes = [2000, 4], strides = [1, 1]} : vector<2000x80xf32> to vector<2000x4xf32>
    %slice3A_11 = vector.extract_strided_slice %get3A_8 {offsets = [0, 64], sizes = [2000, 4], strides = [1, 1]} : vector<2000x80xf32> to vector<2000x4xf32>
    %concatenate3A_12 = tpu.concatenate %slice3A_10, %slice3A_11 in 1 : vector<2000x4xf32>, vector<2000x4xf32> -> vector<2000x8xf32>
    %iota3A = tpu.iota {dimensions = array<i32: 1>} : vector<8x128xi32>
    %jit3A = arith.constant 16 : i32
    %div3A = vector.broadcast %jit3A : i32 to vector<8x128xi32>
    %div3A_13 = arith.divsi %iota3A, %div3A : vector<8x128xi32>
    %sign3A = arith.constant 0 : i32
    %sign3A_14 = vector.broadcast %sign3A : i32 to vector<8x128xi32>
    %sign3A_15 = arith.cmpi sgt, %iota3A, %sign3A_14 : vector<8x128xi32>
    %sign3A_16 = arith.extui %sign3A_15 : vector<8x128xi1> to vector<8x128xi32>
    %sign3A_17 = arith.constant 0 : i32
    %sign3A_18 = vector.broadcast %sign3A_17 : i32 to vector<8x128xi32>
    %sign3A_19 = arith.cmpi slt, %iota3A, %sign3A_18 : vector<8x128xi32>
    %sign3A_20 = arith.extui %sign3A_19 : vector<8x128xi1> to vector<8x128xi32>
    %sign3A_21 = arith.subi %sign3A_16, %sign3A_20 : vector<8x128xi32>
    %sign3A_22 = arith.constant 0 : i32
    %sign3A_23 = arith.cmpi sgt, %jit3A, %sign3A_22 : i32
    %sign3A_24 = arith.extui %sign3A_23 : i1 to i32
    %sign3A_25 = arith.constant 0 : i32
    %sign3A_26 = arith.cmpi slt, %jit3A, %sign3A_25 : i32
    %sign3A_27 = arith.extui %sign3A_26 : i1 to i32
    %sign3A_28 = arith.subi %sign3A_24, %sign3A_27 : i32
    %ne3A = vector.broadcast %sign3A_28 : i32 to vector<8x128xi32>
    %ne3A_29 = arith.cmpi ne, %sign3A_21, %ne3A : vector<8x128xi32>
    %rem3A = vector.broadcast %jit3A : i32 to vector<8x128xi32>
    %rem3A_30 = arith.remsi %iota3A, %rem3A : vector<8x128xi32>
    %ne3A_31 = arith.constant 0 : i32
    %ne3A_32 = vector.broadcast %ne3A_31 : i32 to vector<8x128xi32>
    %ne3A_33 = arith.cmpi ne, %rem3A_30, %ne3A_32 : vector<8x128xi32>
    %and3A = arith.andi %ne3A_29, %ne3A_33 : vector<8x128xi1>
    %sub3A = arith.constant 1 : i32
    %sub3A_34 = vector.broadcast %sub3A : i32 to vector<8x128xi32>
    %sub3A_35 = arith.subi %div3A_13, %sub3A_34 : vector<8x128xi32>
    %select_n3A = arith.select %and3A, %sub3A_35, %div3A_13 : vector<8x128xi1>, vector<8x128xi32>
    %iota3A_36 = tpu.iota {dimensions = array<i32: 0>} : vector<8x128xi32>
    %eq3A = arith.cmpi eq, %select_n3A, %iota3A_36 : vector<8x128xi32>
    %convert_element_type3A = arith.extui %eq3A : vector<8x128xi1> to vector<8x128xi32>
    %convert_element_type3A_37 = arith.sitofp %convert_element_type3A : vector<8x128xi32> to vector<8x128xf32>
    %dot_general3A = arith.constant dense<0.000000e+00> : vector<2000x128xf32>
    %dot_general3A_38 = tpu.matmul %concatenate3A_12, %convert_element_type3A_37, %dot_general3A {dimension_numbers = #tpu.dot_dimension_numbers<[1], [0], [0], [1], [0, 0, 1, 1], [], []>, transpose_lhs_hint = false} : vector<2000x8xf32>, vector<8x128xf32>, vector<2000x128xf32> -> vector<2000x128xf32>
    %add3A = arith.constant 1.000000e-16 : f32
    %add3A_39 = vector.broadcast %add3A : f32 to vector<2000x128xf32>
    %add3A_40 = arith.addf %dot_general3A_38, %add3A_39 : vector<2000x128xf32>
    %div3A_41 = arith.divf %concatenate3A, %add3A_40 : vector<2000x128xf32>
    %get3A_42 = arith.constant 0 : index
    %get3A_43 = arith.constant 0 : index
    %get3A_44 = vector.load %arg3[%get3A_42, %get3A_43] : memref<128x128xf32, #tpu.memory_space<vmem>>, vector<128x128xf32>
    %dot_general3A_45 = arith.constant dense<0.000000e+00> : vector<2000x128xf32>
    %dot_general3A_46 = tpu.matmul %div3A_41, %get3A_44, %dot_general3A_45 {dimension_numbers = #tpu.dot_dimension_numbers<[1], [0], [0], [1], [0, 0, 1, 1], [], []>, transpose_lhs_hint = false} : vector<2000x128xf32>, vector<128x128xf32>, vector<2000x128xf32> -> vector<2000x128xf32>
    %get3A_47 = arith.constant 0 : index
    %get3A_48 = arith.constant 0 : index
    %get3A_49 = vector.load %arg4[%get3A_47, %get3A_48] : memref<1x128xf32, #tpu.memory_space<vmem>>, vector<1x128xf32>
    %add3A_50 = vector.broadcast %get3A_49 : vector<1x128xf32> to vector<2000x128xf32>
    %add3A_51 = arith.addf %dot_general3A_46, %add3A_50 : vector<2000x128xf32>
    %get3A_52 = arith.constant 0 : index
    %get3A_53 = arith.constant 0 : index
    %get3A_54 = vector.load %arg2[%get3A_52, %get3A_53] : memref<2000x128xf32, #tpu.memory_space<vmem>>, vector<2000x128xf32>
    %add3A_55 = arith.addf %get3A_54, %add3A_51 : vector<2000x128xf32>
    %get3A_56 = arith.constant 0 : index
    %get3A_57 = arith.constant 0 : index
    %get3A_58 = vector.load %arg9[%get3A_56, %get3A_57] : memref<1x128xf32, #tpu.memory_space<vmem>>, vector<1x128xf32>
    %get3A_59 = arith.constant 0 : index
    %get3A_60 = arith.constant 0 : index
    %get3A_61 = vector.load %arg10[%get3A_59, %get3A_60] : memref<1x128xf32, #tpu.memory_space<vmem>>, vector<1x128xf32>
    %reduce_sum3A = arith.constant dense<0.000000e+00> : vector<2000xf32>
    %reduce_sum3A_62 = vector.multi_reduction <add>, %add3A_55, %reduce_sum3A [1] : vector<2000x128xf32> to vector<2000xf32>
    %broadcast_in_dim3A = vector.shape_cast %reduce_sum3A_62 : vector<2000xf32> to vector<2000x1xf32>
    %div3A_63 = arith.constant 1.280000e+02 : f32
    %div3A_64 = vector.broadcast %div3A_63 : f32 to vector<2000x1xf32>
    %div3A_65 = arith.divf %broadcast_in_dim3A, %div3A_64 : vector<2000x1xf32>
    %sub3A_66 = vector.broadcast %div3A_65 : vector<2000x1xf32> to vector<2000x128xf32>
    %sub3A_67 = arith.subf %add3A_55, %sub3A_66 : vector<2000x128xf32>
    %integer_pow3A = arith.mulf %sub3A_67, %sub3A_67 : vector<2000x128xf32>
    %reduce_sum3A_68 = arith.constant dense<0.000000e+00> : vector<2000xf32>
    %reduce_sum3A_69 = vector.multi_reduction <add>, %integer_pow3A, %reduce_sum3A_68 [1] : vector<2000x128xf32> to vector<2000xf32>
    %broadcast_in_dim3A_70 = vector.shape_cast %reduce_sum3A_69 : vector<2000xf32> to vector<2000x1xf32>
    %div3A_71 = arith.constant 1.280000e+02 : f32
    %div3A_72 = vector.broadcast %div3A_71 : f32 to vector<2000x1xf32>
    %div3A_73 = arith.divf %broadcast_in_dim3A_70, %div3A_72 : vector<2000x1xf32>
    %sub3A_74 = vector.broadcast %div3A_65 : vector<2000x1xf32> to vector<2000x128xf32>
    %sub3A_75 = arith.subf %add3A_55, %sub3A_74 : vector<2000x128xf32>
    %add3A_76 = arith.constant 9.99999974E-6 : f32
    %add3A_77 = vector.broadcast %add3A_76 : f32 to vector<2000x1xf32>
    %add3A_78 = arith.addf %div3A_73, %add3A_77 : vector<2000x1xf32>
    %sqrt3A = math.sqrt %add3A_78 : vector<2000x1xf32>
    %div3A_79 = vector.broadcast %sqrt3A : vector<2000x1xf32> to vector<2000x128xf32>
    %div3A_80 = arith.divf %sub3A_75, %div3A_79 : vector<2000x128xf32>
    %mul3A = vector.broadcast %get3A_58 : vector<1x128xf32> to vector<2000x128xf32>
    %mul3A_81 = arith.mulf %div3A_80, %mul3A : vector<2000x128xf32>
    %add3A_82 = vector.broadcast %get3A_61 : vector<1x128xf32> to vector<2000x128xf32>
    %add3A_83 = arith.addf %mul3A_81, %add3A_82 : vector<2000x128xf32>
    %get3A_84 = arith.constant 0 : index
    %get3A_85 = arith.constant 0 : index
    %get3A_86 = vector.load %arg5[%get3A_84, %get3A_85] : memref<128x128xf32, #tpu.memory_space<vmem>>, vector<128x128xf32>
    %dot_general3A_87 = arith.constant dense<0.000000e+00> : vector<2000x128xf32>
    %dot_general3A_88 = tpu.matmul %add3A_83, %get3A_86, %dot_general3A_87 {dimension_numbers = #tpu.dot_dimension_numbers<[1], [0], [0], [1], [0, 0, 1, 1], [], []>, transpose_lhs_hint = false} : vector<2000x128xf32>, vector<128x128xf32>, vector<2000x128xf32> -> vector<2000x128xf32>
    %get3A_89 = arith.constant 0 : index
    %get3A_90 = arith.constant 0 : index
    %get3A_91 = vector.load %arg6[%get3A_89, %get3A_90] : memref<1x128xf32, #tpu.memory_space<vmem>>, vector<1x128xf32>
    %add3A_92 = vector.broadcast %get3A_91 : vector<1x128xf32> to vector<2000x128xf32>
    %add3A_93 = arith.addf %dot_general3A_88, %add3A_92 : vector<2000x128xf32>
    %mul3A_94 = arith.constant 5.000000e-01 : f32
    %mul3A_95 = vector.broadcast %mul3A_94 : f32 to vector<2000x128xf32>
    %mul3A_96 = arith.mulf %mul3A_95, %add3A_93 : vector<2000x128xf32>
    %mul3A_97 = arith.constant 0.707106769 : f32
    %mul3A_98 = vector.broadcast %mul3A_97 : f32 to vector<2000x128xf32>
    %mul3A_99 = arith.mulf %add3A_93, %mul3A_98 : vector<2000x128xf32>
    %erf3A = math.erf %mul3A_99 : vector<2000x128xf32>
    %add3A_100 = arith.constant 1.000000e+00 : f32
    %add3A_101 = vector.broadcast %add3A_100 : f32 to vector<2000x128xf32>
    %add3A_102 = arith.addf %add3A_101, %erf3A : vector<2000x128xf32>
    %mul3A_103 = arith.mulf %mul3A_96, %add3A_102 : vector<2000x128xf32>
    %get3A_104 = arith.constant 0 : index
    %get3A_105 = arith.constant 0 : index
    %get3A_106 = vector.load %arg7[%get3A_104, %get3A_105] : memref<128x128xf32, #tpu.memory_space<vmem>>, vector<128x128xf32>
    %dot_general3A_107 = arith.constant dense<0.000000e+00> : vector<2000x128xf32>
    %dot_general3A_108 = tpu.matmul %mul3A_103, %get3A_106, %dot_general3A_107 {dimension_numbers = #tpu.dot_dimension_numbers<[1], [0], [0], [1], [0, 0, 1, 1], [], []>, transpose_lhs_hint = false} : vector<2000x128xf32>, vector<128x128xf32>, vector<2000x128xf32> -> vector<2000x128xf32>
    %get3A_109 = arith.constant 0 : index
    %get3A_110 = arith.constant 0 : index
    %get3A_111 = vector.load %arg8[%get3A_109, %get3A_110] : memref<1x128xf32, #tpu.memory_space<vmem>>, vector<1x128xf32>
    %add3A_112 = vector.broadcast %get3A_111 : vector<1x128xf32> to vector<2000x128xf32>
    %add3A_113 = arith.addf %dot_general3A_108, %add3A_112 : vector<2000x128xf32>
    %add3A_114 = arith.addf %add3A_83, %add3A_113 : vector<2000x128xf32>
    %get3A_115 = arith.constant 0 : index
    %get3A_116 = arith.constant 0 : index
    %get3A_117 = vector.load %arg11[%get3A_115, %get3A_116] : memref<1x128xf32, #tpu.memory_space<vmem>>, vector<1x128xf32>
    %get3A_118 = arith.constant 0 : index
    %get3A_119 = arith.constant 0 : index
    %get3A_120 = vector.load %arg12[%get3A_118, %get3A_119] : memref<1x128xf32, #tpu.memory_space<vmem>>, vector<1x128xf32>
    %reduce_sum3A_121 = arith.constant dense<0.000000e+00> : vector<2000xf32>
    %reduce_sum3A_122 = vector.multi_reduction <add>, %add3A_114, %reduce_sum3A_121 [1] : vector<2000x128xf32> to vector<2000xf32>
    %broadcast_in_dim3A_123 = vector.shape_cast %reduce_sum3A_122 : vector<2000xf32> to vector<2000x1xf32>
    %div3A_124 = arith.constant 1.280000e+02 : f32
    %div3A_125 = vector.broadcast %div3A_124 : f32 to vector<2000x1xf32>
    %div3A_126 = arith.divf %broadcast_in_dim3A_123, %div3A_125 : vector<2000x1xf32>
    %sub3A_127 = vector.broadcast %div3A_126 : vector<2000x1xf32> to vector<2000x128xf32>
    %sub3A_128 = arith.subf %add3A_114, %sub3A_127 : vector<2000x128xf32>
    %integer_pow3A_129 = arith.mulf %sub3A_128, %sub3A_128 : vector<2000x128xf32>
    %reduce_sum3A_130 = arith.constant dense<0.000000e+00> : vector<2000xf32>
    %reduce_sum3A_131 = vector.multi_reduction <add>, %integer_pow3A_129, %reduce_sum3A_130 [1] : vector<2000x128xf32> to vector<2000xf32>
    %broadcast_in_dim3A_132 = vector.shape_cast %reduce_sum3A_131 : vector<2000xf32> to vector<2000x1xf32>
    %div3A_133 = arith.constant 1.280000e+02 : f32
    %div3A_134 = vector.broadcast %div3A_133 : f32 to vector<2000x1xf32>
    %div3A_135 = arith.divf %broadcast_in_dim3A_132, %div3A_134 : vector<2000x1xf32>
    %sub3A_136 = vector.broadcast %div3A_126 : vector<2000x1xf32> to vector<2000x128xf32>
    %sub3A_137 = arith.subf %add3A_114, %sub3A_136 : vector<2000x128xf32>
    %add3A_138 = arith.constant 9.99999974E-6 : f32
    %add3A_139 = vector.broadcast %add3A_138 : f32 to vector<2000x1xf32>
    %add3A_140 = arith.addf %div3A_135, %add3A_139 : vector<2000x1xf32>
    %sqrt3A_141 = math.sqrt %add3A_140 : vector<2000x1xf32>
    %div3A_142 = vector.broadcast %sqrt3A_141 : vector<2000x1xf32> to vector<2000x128xf32>
    %div3A_143 = arith.divf %sub3A_137, %div3A_142 : vector<2000x128xf32>
    %mul3A_144 = vector.broadcast %get3A_117 : vector<1x128xf32> to vector<2000x128xf32>
    %mul3A_145 = arith.mulf %div3A_143, %mul3A_144 : vector<2000x128xf32>
    %add3A_146 = vector.broadcast %get3A_120 : vector<1x128xf32> to vector<2000x128xf32>
    %add3A_147 = arith.addf %mul3A_145, %add3A_146 : vector<2000x128xf32>
    %swap3A = arith.constant 0 : index
    %swap3A_148 = arith.constant 0 : index
    %swap3A_149 = vector.load %arg13[%swap3A, %swap3A_148] : memref<2000x128xf32, #tpu.memory_space<vmem>>, vector<2000x128xf32>
    tpu.vector_store %arg13[%swap3A, %swap3A_148], %add3A_147 {strides = array<i32>} : memref<2000x128xf32, #tpu.memory_space<vmem>>, vector<2000x128xf32>,
    return
  }
  func.func @transform_0(%arg0: i32) -> (i32, i32, i32) {
    %c0_i32 = arith.constant 0 : i32
    %c0_i32_0 = arith.constant 0 : i32
    %c0_i32_1 = arith.constant 0 : i32
    return %c0_i32, %arg0, %c0_i32_0 : i32, i32, i32
  }
  func.func @transform_1(%arg0: i32) -> (i32, i32) {
    %c0_i32 = arith.constant 0 : i32
    %c0_i32_0 = arith.constant 0 : i32
    return %arg0, %c0_i32 : i32, i32
  }
  func.func @transform_2(%arg0: i32) -> (i32, i32) {
    %c0_i32 = arith.constant 0 : i32
    %c0_i32_0 = arith.constant 0 : i32
    %c0_i32_1 = arith.constant 0 : i32
    return %c0_i32, %c0_i32_0 : i32, i32
  }
  func.func @transform_3(%arg0: i32) -> (i32, i32) {
    %c0_i32 = arith.constant 0 : i32
    %c0_i32_0 = arith.constant 0 : i32
    %c0_i32_1 = arith.constant 0 : i32
    return %c0_i32, %c0_i32_0 : i32, i32
  }
  func.func @transform_4(%arg0: i32) -> (i32, i32) {
    %c0_i32 = arith.constant 0 : i32
    %c0_i32_0 = arith.constant 0 : i32
    %c0_i32_1 = arith.constant 0 : i32
    return %c0_i32, %c0_i32_0 : i32, i32
  }
  func.func @transform_5(%arg0: i32) -> (i32, i32) {
    %c0_i32 = arith.constant 0 : i32
    %c0_i32_0 = arith.constant 0 : i32
    %c0_i32_1 = arith.constant 0 : i32
    return %c0_i32, %c0_i32_0 : i32, i32
  }
  func.func @transform_6(%arg0: i32) -> (i32, i32) {
    %c0_i32 = arith.constant 0 : i32
    %c0_i32_0 = arith.constant 0 : i32
    %c0_i32_1 = arith.constant 0 : i32
    return %c0_i32, %c0_i32_0 : i32, i32
  }
  func.func @transform_7(%arg0: i32) -> (i32, i32) {
    %c0_i32 = arith.constant 0 : i32
    %c0_i32_0 = arith.constant 0 : i32
    %c0_i32_1 = arith.constant 0 : i32
    return %c0_i32, %c0_i32_0 : i32, i32
  }
  func.func @transform_8(%arg0: i32) -> (i32, i32) {
    %c0_i32 = arith.constant 0 : i32
    %c0_i32_0 = arith.constant 0 : i32
    %c0_i32_1 = arith.constant 0 : i32
    return %c0_i32, %c0_i32_0 : i32, i32
  }
  func.func @transform_9(%arg0: i32) -> (i32, i32) {
    %c0_i32 = arith.constant 0 : i32
    %c0_i32_0 = arith.constant 0 : i32
    %c0_i32_1 = arith.constant 0 : i32
    return %c0_i32, %c0_i32_0 : i32, i32
  }
  func.func @transform_10(%arg0: i32) -> (i32, i32) {
    %c0_i32 = arith.constant 0 : i32
    %c0_i32_0 = arith.constant 0 : i32
    %c0_i32_1 = arith.constant 0 : i32
    return %c0_i32, %c0_i32_0 : i32, i32
  }
  func.func @transform_11(%arg0: i32) -> (i32, i32) {
    %c0_i32 = arith.constant 0 : i32
    %c0_i32_0 = arith.constant 0 : i32
    %c0_i32_1 = arith.constant 0 : i32
    return %c0_i32, %c0_i32_0 : i32, i32
  }
  func.func @transform_12(%arg0: i32) -> (i32, i32) {
    %c0_i32 = arith.constant 0 : i32
    %c0_i32_0 = arith.constant 0 : i32
    return %arg0, %c0_i32 : i32, i32
  }
}

</mosaic_0001>

<sc_bundles>
// kernel: kernel.5.cloned.1.call-start
scs
__scs_entry_jumppad:
0x0: {  	(pc) =	sbr.rel $0x88, $3  }
0x1: {  	(tag) =	ssettag $0x0;
	lr =	simm.s32 $0x1  }
0x2: {  	[smem:$0x3F8D] =	sst lr;
	_ =	strace $0xD0000000  }
0x3: {  	_ = 	snop  }
0x4: {  	_ = 	snop  }
0x5: {  	_ = 	snop  }
0x6: {  	_ = 	snop  }
0x7: {  	_ = 	snop  }
__scs_overlays_trampoline_lowered:
0x8: {  	[smem:$0x3F9C] =	sst s0  }
0x9: {  	[smem:$0x3F9D] =	sst s1  }
0xa: {  	[smem:$0x3F9E] =	sst s2  }
0xb: {  	[smem:$0x3F9F] =	sst s3  }
0xc: {  	[smem:$0x3FA0] =	sst s4  }
0xd: {  	[smem:$0x3FA1] =	sst s5  }
0xe: {  	[smem:$0x3FA2] =	sst s6  }
0xf: {  	[smem:$0x3FA3] =	sst s7  }
0x10: {  	[smem:$0x3FA4] =	sst s8  }
0x11: {  	[smem:$0x3FA5] =	sst s9;
	s0 =	simm.s32 @!p0 $0x0  }
0x12: {  	s1 =	sld [smem:$0x3F8B];
	s0 =	simm.s32 @p0 $0x1  }
0x13: {  	[smem:$0x3FA6] =	sst s0;
	s0 =	simm.s32 @!p1 $0x0  }
0x14: {  	s2 =	sld [smem:$0x3F8A];
	s0 =	simm.s32 @p1 $0x1  }
0x15: {  	[smem:$0x3FA7] =	sst s0;
	s0 =	simm.s32 @!p2 $0x0  }
0x16: {  	s3 =	sld [smem:$0x3FDB];
	s0 =	simm.s32 @p2 $0x1  }
0x17: {  	s4 =	simm.s32 $0x1BF5;
	[smem:$0x3FA9] =	sst s0  }
0x18: {  	s0 =	sld [smem:$0x3F8C];
	_ =	swait.ge [sflag:s4], $0x0  }
0x19: {  	s7 =	sld [smem:$0x3F8D]  }
0x1a: {  	s8 =	sadd.s32 $0xFFFFE003, lr  }
0x1b: {  	s9 =	sadd.s32 $0xFFFFFEF7, lr;
	s5 =	simm.s32 $0xFFFFFFFF;
	p2 =	slt.u32 s8, $0xFFFFF086  }
0x1c: {  	p1 =	slt.u32 s9, $0xF7A;
	s5 =	simm.s32 @!p2 $0x0  }
0x1d: {  	s5 =	simm.s32 @p1 $0x1;
	p0 =	seq.s32 s7, s2  }
0x1e: {  	s7 =	smul.u32 @!p0 $0xF7A, s2;
	p2 =	seq.s32 @!p0 s5, $0x0  }
0x1f: {  	s9 =	smul.u32 $0xF7A, s1;
	s8 =	simm.s32 @!p0 $0x1BF5;
	p2 =	por !p2, p0  }
0x20: {  	[sflag:s8] =	ssyncset.s32 @!p0 $0xFFFFF086;
	s6 =	sadd.s32 @!p0 s3, s7;
	s7 =	simm.s32 @!p0 $0x108  }
0x21: {  	s3 =	sadd.s32 s3, s9;
	s6 =	sadd.s32 @!p0 $0x88, s6;
	s7 =	simm.s32 @p2 $0x1082  }
0x22: {  	[simem:s7], [sflag:s8] =	dma.local @!p0 [hbm:s6], $0xF7A  }
0x23: {  	s9 =	sor.u32 $0xD0000000, s2;
	s6 =	simm.s32 $0x108;
	_ =	swait.ge @!p0 [sflag:s8], $0x0  }
0x24: {  	s3 =	sadd.s32 $0x88, s3;
	s6 =	simm.s32 @!p1 $0x1082;
	[sflag:s4] =	ssyncset.s32 $0xFFFFF086  }
0x25: {  	[simem:s6], [sflag:s4] =	dma.local [hbm:s3], $0xF7A  }
0x26: {  	[smem:$0x3F8D] =	sst s1;
	(tag) =	ssettag s2;
	_ =	strace s9  }
0x27: {  	s1 =	sld [smem:$0x3F9D]  }
0x28: {  	s2 =	sld [smem:$0x3F9E]  }
0x29: {  	s4 =	sld [smem:$0x3FA0]  }
0x2a: {  	p0 =	seq.s32 s5, $0x0;
	s5 =	sld [smem:$0x3FA1]  }
0x2b: {  	s6 =	sld [smem:$0x3FA2]  }
0x2c: {  	s7 =	sld [smem:$0x3FA3]  }
0x2d: {  	s3 =	simm.s32 $0x108;
	s8 =	sld [smem:$0x3FA4]  }
0x2e: {  	s3 =	simm.s32 @!p0 $0x1082;
	s9 =	sld [smem:$0x3FA5]  }
0x2f: {  	lr =	sadd.s32 s0, s3;
	s0 =	sld [smem:$0x3F9C]  }
0x30: {  	s3 =	sld [smem:$0x3F9F]  }
0x31: {  	[smem:$0x3FA8] =	sst s10  }
0x32: {  	s10 =	sld [smem:$0x3FA6];
	_ =	sdelay $0x3  }
0x33: {  	p0 =	seq.s32 s10, $0x1;
	s10 =	sld [smem:$0x3FA8];
	_ =	sdelay $0x3  }
0x34: {  	[smem:$0x3FA8] =	sst s10  }
0x35: {  	s10 =	sld [smem:$0x3FA7];
	_ =	sdelay $0x3  }
0x36: {  	p1 =	seq.s32 s10, $0x1;
	s10 =	sld [smem:$0x3FA8];
	_ =	sdelay $0x3  }
0x37: {  	[smem:$0x3FA8] =	sst s10  }
0x38: {  	s10 =	sld [smem:$0x3FA9]  }
0x39: {  	_ = 	snop;
	(pc) =	sbr.ind lr, $3  }
0x3a: {  	_ = 	snop  }
0x3b: {  	_ = 	snop  }
0x3c: {  	p2 =	seq.s32 s10, $0x1;
	s10 =	sld [smem:$0x3FA8]  }
0x3d: {  	_ =	shalt  }
0x3e: {  	_ =	shalt  }
0x3f: {  	_ =	shalt  }
0x40: {  	_ =	shalt  }
0x41: {  	_ =	shalt  }
0x42: {  	_ =	shalt  }
0x43: {  	_ =	shalt  }
0x44: {  	_ =	shalt  }
0x45: {  	_ =	shalt  }
0x46: {  	_ =	shalt  }
0x47: {  	_ =	shalt  }
0x48: {  	_ =	shalt  }
0x49: {  	_ =	shalt  }
0x4a: {  	_ =	shalt  }
0x4b: {  	_ =	shalt  }
0x4c: {  	_ =	shalt  }
0x4d: {  	_ =	shalt  }
0x4e: {  	_ =	shalt  }
0x4f: {  	_ =	shalt  }
0x50: {  	_ =	shalt  }
0x51: {  	_ =	shalt  }
0x52: {  	_ =	shalt  }
0x53: {  	_ =	shalt  }
0x54: {  	_ =	shalt  }
0x55: {  	_ =	shalt  }
0x56: {  	_ =	shalt  }
0x57: {  	_ =	shalt  }
0x58: {  	_ =	shalt  }
0x59: {  	_ =	shalt  }
0x5a: {  	_ =	shalt  }
0x5b: {  	_ =	shalt  }
0x5c: {  	_ =	shalt  }
0x5d: {  	_ =	shalt  }
0x5e: {  	_ =	shalt  }
0x5f: {  	_ =	shalt  }
0x60: {  	_ =	shalt  }
0x61: {  	_ =	shalt  }
0x62: {  	_ =	shalt  }
0x63: {  	_ =	shalt  }
0x64: {  	_ =	shalt  }
0x65: {  	_ =	shalt  }
0x66: {  	_ =	shalt  }
0x67: {  	_ =	shalt  }
0x68: {  	_ =	shalt  }
0x69: {  	_ =	shalt  }
0x6a: {  	_ =	shalt  }
0x6b: {  	_ =	shalt  }
0x6c: {  	_ =	shalt  }
0x6d: {  	_ =	shalt  }
0x6e: {  	_ =	shalt  }
0x6f: {  	_ =	shalt  }
0x70: {  	_ =	shalt  }
0x71: {  	_ =	shalt  }
0x72: {  	_ =	shalt  }
0x73: {  	_ =	shalt  }
0x74: {  	_ =	shalt  }
0x75: {  	_ =	shalt  }
0x76: {  	_ =	shalt  }
0x77: {  	_ =	shalt  }
0x78: {  	_ =	shalt  }
0x79: {  	_ =	shalt  }
0x7a: {  	_ =	shalt  }
0x7b: {  	_ =	shalt  }
0x7c: {  	_ =	shalt  }
0x7d: {  	_ =	shalt  }
0x7e: {  	_ =	shalt  }
0x7f: {  	_ =	shalt  }
0x80: {  	_ =	shalt  }
0x81: {  	_ =	shalt  }
0x82: {  	_ =	shalt  }
0x83: {  	_ =	shalt  }
0x84: {  	_ =	shalt  }
0x85: {  	_ =	shalt  }
0x86: {  	_ =	shalt  }
0x87: {  	_ =	shalt  }
.Lfunc_end0:
.L_simem_size_0:
called_computation_lowered:
.L_overlay_start_0:
0x88: {  	s2 =	sld [smem:$0x3FD9]  }
0x89: {  	s3 =	sld [smem:$0x3FFE];
	_ =	sdelay $0x1  }
0x8a: {  	s1 =	srdreg.scid  }
0x8b: {  	s0 =	sand.u32 $0x1, s1  }
0x8c: {  	s17 =	sshll.u32 s0, $0xA;
	s2 =	sadd.s32 s3, s2  }
0x8d: {  	s2 =	sadd.s32 s2, s17  }
0x8e: {  	[smem:$0x3FB4] =	sst s2  }
0x8f: {  	_ = 	snop  }
0x90: {  	s2 =	sld [smem:$0x3FC7]  }
0x91: {  	s18 =	sld [smem:$0x3FD0];
	(tm) =	ssettm $0x1  }
0x92: {  	s4 =	sld [smem:$0x3FFB];
	_ =	sdelay $0x3  }
0x93: {  	_ =	strace s4  }
0x94: {  	s4 =	sld [smem:$0x3FFC];
	_ =	sdelay $0x3  }
0x95: {  	_ =	strace s4  }
0x96: {  	s4 =	sld [smem:$0x3FFD];
	_ =	sdelay $0x3  }
0x97: {  	_ =	strace s4  }
0x98: {  	_ =	strace $0x8FFFFFFF  }
0x99: {  	s19 =	sld [smem:$0x3FDB];
	_ =	sdelay $0x1  }
0x9a: {  	s5 =	simm.s32 $_scs_section_size  }
0x9b: {  	s6 =	simm.s32 $_size__tile_overlayer_lowered;
	s7 =	simm.s32 $_tile_overlayer_lowered  }
0x9c: {  	s22 =	simm.s32 $0x1BFF;
	s21 =	sshll.u32 s7, $0x1;
	s4 =	sadd.s32 s5, s19  }
0x9d: {  	s8 =	simm.s32 $0x0;
	s20 =	sshll.u32 s6, $0x1;
	s6 =	sadd.s32 s21, s4  }
0x9e: {  	[timem:s8], [sflag:s22] =	dma.local [hbm:s6], s20  }
0x9f: {  	_ =	swait.ge [sflag:s22], s20  }
0xa0: {  	s5 =	ssub.s32 $0x0, s20;
	[sflag:s22] =	ssyncset.done $0x0  }
0xa1: {  	[sflag:s22] =	ssyncadd.s32 s5;
	_ =	sdelay $0x1  }
0xa2: {  	s23 =	simm.s32 $0x1B8B  }
0xa3: {  	_ =	swait.ge [sflag:s23], $0x1  }
0xa4: {  	[sflag:s23] =	ssyncset.done $0x0  }
0xa5: {  	s25 =	simm.s32 $0x1B8E;
	s24 =	sld [smem:$0x3FFE];
	[sflag:s23] =	ssyncadd.s32 $0xFFFFFFFF  }
0xa6: {  	s26 =	simm.s32 $execute0_lowered;
	[smem:$0x3FD2] =	sst s25  }
0xa7: {  	s6 =	sshll.u32 s26, $0x1;
	_ =	strace $0x80000046;
	[dreg:$0x1] =	wrdreg $0xFFFFFFFF  }
0xa8: {  	s28 =	simm.s32 $_size_execute0_lowered;
	s4 =	sadd.s32 s4, s6;
	[dreg:$0x0] =	wrdreg $0x0  }
0xa9: {  	s6 =	sshll.u32 s28, $0x1;
	[dreg:$0x2] =	wrdreg s4  }
0xaa: {  	[dreg:$0x3] =	wrdreg s6  }
0xab: {  	[dreg:$0x4] =	wrdreg $0xC0  }
0xac: {  	_ =	task [dreg:s8], $0x5FFFF  }
0xad: {  	[dreg:$0x1] =	wrdreg $0xFFFFFFFF  }
0xae: {  	[dreg:$0x0] =	wrdreg $0x60  }
0xaf: {  	[dreg:$0x2] =	wrdreg s18  }
0xb0: {  	[dreg:$0x3] =	wrdreg s24  }
0xb1: {  	[dreg:$0x4] =	wrdreg s2  }
0xb2: {  	[dreg:$0x5] =	wrdreg $0x6F900  }
0xb3: {  	[dreg:$0x6] =	wrdreg $0x9  }
0xb4: {  	_ =	task.clear_ibuf [dreg:s8], $0x7FFFF;
	_ =	strace $0x90000046  }
0xb5: {  	s29 =	simm.s32 $0x9;
	_ =	strace $0x80000048  }
0xb6: {  	_ =	swait.ge [sflag:s29], $0x1  }
0xb7: {  	[sflag:s29] =	ssyncadd.s32 $0xFFFFFFFF  }
0xb8: {  	_ =	strace $0x90000048  }
0xb9: {  	_ =	sfence  }
0xba: {  	s30 =	sld [smem:$0x0];
	_ =	sdelay $0x2  }
0xbb: {  	s31 =	sshll.u32 s1, $0xD;
	s1 =	sshrl.u32 s1, $0x2  }
0xbc: {  	s3 =	sand.u32 $0x4000, s31;
	s1 =	sadd.s32 s1, s30  }
0xbd: {  	s0 =	sor.u32 s3, s0;
	s1 =	sshll.u32 s1, $0x11  }
0xbe: {  	s0 =	sor.u32 s1, s0  }
0xbf: {  	s0 =	sadd.s32 $0x8F2B, s0  }
0xc0: {  	[sflag:s0] =	ssyncadd.remote.s32 $0x1  }
0xc1: {  	_ =	sfence.sel $0xFFFF  }
0xc2: {  	[dreg:$0x0] =	wrdreg $0xFFFFFFFF;
	(pc) =	sbr.abs _section_cstart, $3  }
0xc3: {  	[dreg:$0x1] =	wrdreg $0xFFFFFFFF  }
0xc4: {  	_ =	task.clear_ibuf [dreg:s8], $0x2FFFF;
	_ =	strace $0x9FFFFFFF  }
0xc5: {  	(tm) =	ssettm $0x7FFFFFFF  }
tec
execute0_lowered:
.L_overlay_start_1:
0x0: {  	(tag) =	ssettag $0x1  }
0x1: {  	s1 =	rddreg [dreg:$0x0]  }
0x2: {  	s0 =	rddreg [dreg:$0x1]  }
0x3: {  	s2 =	rddreg [dreg:$0x2]  }
0x4: {  	s3 =	rddreg [dreg:$0x3];
	s5 =	simm.s32 $0x0;
	s4 =	srdreg.scid  }
0x5: {  	s14 =	stileid.u32;
	s28 =	simm.s32 $0xA0;
	s29 =	simm.s32 $0x100  }
0x6: {  	s30 =	simm.s32 $0x1500;
	s31 =	simm.s32 $0x1;
	[smem:$0x7FF] =	sst s5  }
0x7: {  	s4 =	sand.u32 $0x1, s4;
	s10 =	smul.u32 $0xC800, s14;
	s6 =	sadd.s32 $0x2400, s0  }
0x8: {  	s7 =	sadd.s32 $0x5A400, s0;
	s11 =	smul.u32 $0x32000, s14;
	s15 =	sadd.s32 $0x64200, s0  }
0x9: {  	s9 =	smul.u32 $0xC3500, s4;
	_ =	strace $0x80000047;
	s25 =	ssub.s32 $0x2, s4  }
0xa: {  	[dreg:$0x5] =	wrdreg s15;
	s16 =	smul.u32 $0x2710, s4;
	s4 =	sshll.u32 s4, $0x3  }
0xb: {  	s13 =	smul.u32 $0x280, s14;
	s11 =	sshrl.u32 s11, $0x2;
	[dreg:$0x7] =	wrdreg s4  }
0xc: {  	s9 =	sadd.s32 s10, s9;
	s10 =	smul.u32 $0x4E20, s14;
	s14 =	sadd.s32 s11, s3  }
0xd: {  	s8 =	sadd.s32 $0x50600, s0;
	s18 =	sadd.s32 $0x1900, s14;
	[dreg:$0x6] =	wrdreg s14  }
0xe: {  	s12 =	sshrl.u32 s25, $0x1;
	s20 =	sadd.s32 $0x3200, s14;
	[dreg:$0x8] =	wrdreg s18  }
0xf: {  	s15 =	ssub.s32 $0x2710, s13;
	s21 =	sadd.s32 $0x4B00, s14;
	[dreg:$0x9] =	wrdreg s20  }
0x10: {  	s26 =	ssub.s32 s25, s12;
	s22 =	sadd.s32 $0x6400, s14;
	[dreg:$0xa] =	wrdreg s21  }
0x11: {  	s17 =	sand.u32 $0xFF90, s15;
	s23 =	sadd.s32 $0x7D00, s14;
	[dreg:$0xb] =	wrdreg s22  }
0x12: {  	s11 =	simm.s32 $0x0;
	s24 =	sadd.s32 $0x9600, s14;
	[dreg:$0xc] =	wrdreg s23  }
0x13: {  	s9 =	sshrl.u32 s9, $0x3;
	s25 =	sadd.s32 $0xAF00, s14;
	[dreg:$0xd] =	wrdreg s24  }
0x14: {  	s19 =	smul.u32 $0xCCCD, s17;
	s26 =	smax.u32 s26, $0x1;
	[dreg:$0xe] =	wrdreg s25  }
0x15: {  	v1 =	vimm.f32 $0.0e+00;
	vm0 =	vmmov $0xf;
	v2 =	vimm.s32 $0x0;
	s0 =	sadd.s32 s9, s0;
	[dreg:$0x10] =	wrdreg s26;
	s24 =	simm.s32 $0x3  }
0x16: {  	v3 =	vimm.s32 $0x1;
	v4 =	vimm.s32 $0x2;
	v5 =	vimm.s32 $0x3;
	s25 =	simm.s32 $0x5690;
	s4 =	sshrl.u32 s19, $0x16;
	s0 =	sadd.s32 $0x64400, s0  }
0x17: {  	v6 =	vimm.s32 $0xF;
	vm1 =	vmmov $0x1;
	vm2 =	vcmask $0x310;
	s26 =	simm.s32 $0x50;
	s4 =	smin.u32 s4, $0x8;
	[dreg:$0x11] =	wrdreg s0  }
0x18: {  	vm3 =	vcmask $0x710;
	vm4 =	vcmask $0xB10;
	v0 =	vmov s16;
	s0 =	simm.s32 $0x2;
	[dreg:$0xf] =	wrdreg s4;
	s4 =	simm.s32 $0x3D00  }
.LBB2_1:
0x19: {  	[dreg:$0x12] =	wrdreg s11  }
0x1a: {  	s9 =	rddreg [dreg:$0x5];
	s22 =	simm.s32 $0x5600  }
0x1b: {  	[tilespmem:s22], [sflag:$0x3] =	stream.linear.gather [hbm4b:s9+s5], $0x90, $0x38;
	[tilespmem:$0x13790] =	vst v63  }
0x1c: {  	_ =	swait.ge [sflag:s24], $0x90  }
0x1d: {  	[sflag:s24] =	ssyncset.done $0x0  }
0x1e: {  	s23 =	rddreg [dreg:$0x7];
	[sflag:s24] =	ssyncadd.s32 $0xFFFFFF70  }
0x1f: {  	v7 =	vld [tilespmem:s23+$0x5600]  }
0x20: {  	v8 =	vld [tilespmem:s23+$0x5610]  }
0x21: {  	v9 =	vld [tilespmem:s23+$0x5620]  }
0x22: {  	v10 =	vld [tilespmem:s23+$0x5630]  }
0x23: {  	v11 =	vld [tilespmem:s23+$0x5640]  }
0x24: {  	v12 =	vld [tilespmem:s23+$0x5650]  }
0x25: {  	v13 =	vld [tilespmem:s23+$0x5660]  }
0x26: {  	s11 =	simm.s32 $0x140;
	s9 =	simm.s32 $0x0;
	v14 =	vld [tilespmem:s23+$0x5670]  }
.LBB2_2:
0x27: {  	p0 =	sne.s32 s11, $0x62C0;
	[tilespmem:s9+$0x56D0] =	vst v1;
	s13 =	smov.u32 s11;
	s11 =	sadd.s32 $0x140, s11  }
.Ltmp0:
0x28: {  	[tilespmem:s9+$0x56C0] =	vst v1;
	(pc) =	sbr.rel @p0 .LBB2_2-.Ltmp0, $4  }
0x29: {  	[tilespmem:s9+$0x56B0] =	vst v1  }
0x2a: {  	[tilespmem:s9+$0x5690] =	vst v1  }
0x2b: {  	[tilespmem:s9+$0x56A0] =	vst v1  }
0x2c: {  	s9 =	sshra.s32 s13, $0x2  }
0x2d: {  	[tilespmem:s9+$0x56D0] =	vst v1  }
0x2e: {  	[tilespmem:s9+$0x56C0] =	vst v1  }
0x2f: {  	[tilespmem:s9+$0x56B0] =	vst v1  }
0x30: {  	[tilespmem:s9+$0x5690] =	vst v1  }
0x31: {  	[tilespmem:s9+$0x56A0] =	vst v1  }
0x32: {  	[spmem:s14] =	stream.linear.scatter [tilespmem:s25], [sflag:$0x3], $0x1900, $0x38;
	[tilespmem:$0x13790] =	vst v63  }
0x33: {  	_ =	swait.ge [sflag:s24], $0x1900  }
0x34: {  	[sflag:s24] =	ssyncset.done $0x0  }
0x35: {  	s17 =	rddreg [dreg:$0x8];
	[sflag:s24] =	ssyncadd.s32 $0xFFFFE700  }
0x36: {  	[spmem:s17] =	stream.linear.scatter [tilespmem:s25], [sflag:$0x3], $0x1900, $0x38;
	[tilespmem:$0x13790] =	vst v63  }
0x37: {  	_ =	swait.ge [sflag:s24], $0x1900  }
0x38: {  	[sflag:s24] =	ssyncset.done $0x0  }
0x39: {  	s18 =	rddreg [dreg:$0x9];
	[sflag:s24] =	ssyncadd.s32 $0xFFFFE700  }
0x3a: {  	[spmem:s18] =	stream.linear.scatter [tilespmem:s25], [sflag:$0x3], $0x1900, $0x38;
	[tilespmem:$0x13790] =	vst v63  }
0x3b: {  	_ =	swait.ge [sflag:s24], $0x1900  }
0x3c: {  	[sflag:s24] =	ssyncset.done $0x0  }
0x3d: {  	s19 =	rddreg [dreg:$0xa];
	[sflag:s24] =	ssyncadd.s32 $0xFFFFE700  }
0x3e: {  	[spmem:s19] =	stream.linear.scatter [tilespmem:s25], [sflag:$0x3], $0x1900, $0x38;
	[tilespmem:$0x13790] =	vst v63  }
0x3f: {  	_ =	swait.ge [sflag:s24], $0x1900  }
0x40: {  	[sflag:s24] =	ssyncset.done $0x0  }
0x41: {  	s20 =	rddreg [dreg:$0xb];
	[sflag:s24] =	ssyncadd.s32 $0xFFFFE700  }
0x42: {  	[spmem:s20] =	stream.linear.scatter [tilespmem:s25], [sflag:$0x3], $0x1900, $0x38;
	[tilespmem:$0x13790] =	vst v63  }
0x43: {  	_ =	swait.ge [sflag:s24], $0x1900  }
0x44: {  	[sflag:s24] =	ssyncset.done $0x0  }
0x45: {  	s21 =	rddreg [dreg:$0xc];
	[sflag:s24] =	ssyncadd.s32 $0xFFFFE700  }
0x46: {  	[spmem:s21] =	stream.linear.scatter [tilespmem:s25], [sflag:$0x3], $0x1900, $0x38;
	[tilespmem:$0x13790] =	vst v63  }
0x47: {  	_ =	swait.ge [sflag:s24], $0x1900  }
0x48: {  	[sflag:s24] =	ssyncset.done $0x0  }
0x49: {  	s22 =	rddreg [dreg:$0xd];
	[sflag:s24] =	ssyncadd.s32 $0xFFFFE700  }
0x4a: {  	[spmem:s22] =	stream.linear.scatter [tilespmem:s25], [sflag:$0x3], $0x1900, $0x38;
	[tilespmem:$0x13790] =	vst v63  }
0x4b: {  	_ =	swait.ge [sflag:s24], $0x1900  }
0x4c: {  	[sflag:s24] =	ssyncset.done $0x0  }
0x4d: {  	s23 =	rddreg [dreg:$0xe];
	[sflag:s24] =	ssyncadd.s32 $0xFFFFE700  }
0x4e: {  	[spmem:s23] =	stream.linear.scatter [tilespmem:s25], [sflag:$0x3], $0x1900, $0x38;
	[tilespmem:$0x13790] =	vst v63  }
0x4f: {  	_ =	swait.ge [sflag:s24], $0x1900  }
0x50: {  	v7 =	vnsel vm0, $0x0, v7;
	v8 =	vnsel vm0, $0x0, v8;
	[sflag:s24] =	ssyncset.done $0x0  }
0x51: {  	v9 =	vnsel vm0, $0x0, v9;
	v10 =	vnsel vm0, $0x0, v10;
	v11 =	vnsel vm0, $0x0, v11;
	[sflag:s24] =	ssyncadd.s32 $0xFFFFE700  }
0x52: {  	v12 =	vnsel vm0, $0x0, v12;
	v13 =	vnsel vm0, $0x0, v13;
	v14 =	vnsel vm0, $0x0, v14;
	s9 =	simm.s32 $0x0;
	s13 =	simm.s32 $0x0;
	[bflag:$0x0] =	sbarrier.arrive $0xFFFF  }
.LBB2_4:
0x53: {  	s11 =	smul.u32 $0x50, s13;
	_ =	sdelay $0x1  }
0x54: {  	s11 =	sadd.s32 s10, s11  }
0x55: {  	s11 =	sshrl.u32 s11, $0x3  }
0x56: {  	s14 =	sadd.s32 s7, s11  }
0x57: {  	[tilespmem:s9], [sflag:$0x3] =	stream.linear.gather [hbm4b:s14+s9], $0x50, $0x38;
	[tilespmem:$0x13790] =	vst v63  }
0x58: {  	_ =	swait.ge [sflag:s24], $0x50  }
0x59: {  	[sflag:s24] =	ssyncset.done $0x0  }
0x5a: {  	s21 =	sadd.s32 s8, s11;
	[sflag:s24] =	ssyncadd.s32 $0xFFFFFFB0  }
0x5b: {  	[tilespmem:s26], [sflag:$0x3] =	stream.linear.gather [hbm4b:s21+s9], $0x50, $0x38;
	[tilespmem:$0x13790] =	vst v63  }
0x5c: {  	_ =	swait.ge [sflag:s24], $0x50  }
0x5d: {  	[sflag:s24] =	ssyncset.done $0x0  }
0x5e: {  	s11 =	sadd.s32 s2, s11;
	[sflag:s24] =	ssyncadd.s32 $0xFFFFFFB0  }
0x5f: {  	[tilespmem:s28], [sflag:$0x3] =	stream.linear.gather [hbm4b:s11+s9], $0x50, $0x38;
	[tilespmem:$0x13790] =	vst v63  }
0x60: {  	_ =	swait.ge [sflag:s24], $0x50  }
0x61: {  	[sflag:s24] =	ssyncset.done $0x0  }
0x62: {  	[sflag:s24] =	ssyncadd.s32 $0xFFFFFFB0  }
0x63: {  	v15 =	vld [tilespmem:$0x0]  }
0x64: {  	v16 =	vld [tilespmem:$0x50]  }
0x65: {  	v17 =	vld [tilespmem:$0x10]  }
0x66: {  	v18 =	vld [tilespmem:$0x60]  }
0x67: {  	v19 =	vld [tilespmem:$0x20]  }
0x68: {  	v20 =	vld [tilespmem:$0x70];
	v15 =	vadd.s32 v0, v15  }
0x69: {  	[tilespmem:$0x0] =	vst v15;
	v15 =	vadd.s32 v0, v16;
	v16 =	vld [tilespmem:$0x30]  }
0x6a: {  	[tilespmem:$0x50] =	vst v15;
	v15 =	vadd.s32 v0, v17;
	v17 =	vld [tilespmem:$0x80]  }
0x6b: {  	[tilespmem:$0x10] =	vst v15;
	v15 =	vadd.s32 v0, v18;
	v18 =	vld [tilespmem:$0x40]  }
0x6c: {  	[tilespmem:$0x60] =	vst v15;
	v15 =	vadd.s32 v0, v19;
	v19 =	vld [tilespmem:$0x90]  }
0x6d: {  	[tilespmem:$0x20] =	vst v15;
	v15 =	vadd.s32 v0, v20  }
0x6e: {  	[tilespmem:$0x70] =	vst v15;
	v15 =	vadd.s32 v0, v16  }
0x6f: {  	[tilespmem:$0x30] =	vst v15;
	v15 =	vadd.s32 v0, v17  }
0x70: {  	[tilespmem:$0x80] =	vst v15;
	v15 =	vadd.s32 v0, v18  }
0x71: {  	[tilespmem:$0x40] =	vst v15;
	v15 =	vadd.s32 v0, v19  }
0x72: {  	[tilespmem:$0x90] =	vst v15  }
0x73: {  	[tilespmem:s29], [sflag:$0x1] =	stream.indirect.gather [hbm4b:s1+s26], $0x40, s26, s26, $0xb8;
	[tilespmem:$0x13790] =	vst v63  }
0x74: {  	_ = 	snop  }
0x75: {  	[tilespmem:s30], [sflag:$0x2] =	stream.indirect.gather [hbm4b:s6+s26], $0x80, s9, s26, $0xb8;
	[tilespmem:$0x13790] =	vst v63  }
0x76: {  	_ =	swait.ge [sflag:s31], $0x1400  }
0x77: {  	[sflag:s31] =	ssyncset.done $0x0  }
0x78: {  	[sflag:s31] =	ssyncadd.s32 $0xFFFFEC00  }
0x79: {  	_ =	swait.ge [sflag:s0], $0x2800  }
0x7a: {  	[sflag:s0] =	ssyncset.done $0x0  }
0x7b: {  	s22 =	simm.s32 $0x120;
	[sflag:s0] =	ssyncadd.s32 $0xFFFFD800  }
0x7c: {  	s16 =	simm.s32 $0x1540;
	v15 =	vld [tilespmem:s22+$0xFFFFFFE0]  }
0x7d: {  	v16 =	vld [tilespmem:s16+$0xFFFFFFC0]  }
0x7e: {  	v17 =	vld [tilespmem:s22+$0xFFFFFFF0]  }
0x7f: {  	v18 =	vld [tilespmem:s16+$0xFFFFFFE0]  }
0x80: {  	v19 =	vld [tilespmem:s16+$0xFFFFFFD0]  }
0x81: {  	v62 =	vld [tilespmem:s22+$0x0]  }
0x82: {  	v21 =	vld [tilespmem:s16+$0xFFFFFFF0]  }
0x83: {  	v15 =	vmul.f32 v16, v15;
	v16 =	vld [tilespmem:s22+$0x10];
	_ =	sdelay $0x1  }
0x84: {  	v17 =	vmul.f32 v19, v17  }
0x85: {  	(xrf2) =	vadd.scan.msk.f32 $0xffff, v15;
	v15 =	vmul.f32 v18, v62  }
0x86: {  	(xrf2) =	vadd.scan.msk.f32 $0xffff, v17  }
0x87: {  	(xrf2) =	vadd.scan.msk.f32 $0xffff, v15;
	v15 =	vmul.f32 v21, v16  }
0x88: {  	s23 =	simm.s32 $0x0  }
0x89: {  	v16 =	vld [tilespmem:s23+$0xA0];
	(xrf2) =	vadd.scan.msk.f32 $0xffff, v15;
	_ =	sdelay $0x4  }
0x8a: {  	v16 =	vperm.xlane v16, v2  }
0x8b: {  	v15, _, _ =	vpop (xrf2)  }
0x8c: {  	vm5 =	veq.s32 v16, $0x0;
	vm6 =	veq.s32 v16, $0x4;
	v17, _, _ =	vpop (xrf2);
	v15 =	vperm.xlane v15, v6  }
0x8d: {  	v19 =	vnsel vm5, $0x0, v7;
	vm5 =	veq.s32 v16, $0x1;
	v17 =	vperm.xlane v17, v6;
	v18, _, _ =	vpop (xrf2)  }
0x8e: {  	v19 =	vsel vm5, v8, v19;
	vm5 =	veq.s32 v16, $0x2;
	v18 =	vperm.xlane v18, v6  }
0x8f: {  	v19 =	vsel vm5, v9, v19;
	vm5 =	veq.s32 v16, $0x3;
	v15 =	vnsel vm1, $0x0, v15;
	v63, _, _ =	vpop (xrf2)  }
0x90: {  	v19 =	vsel vm5, v10, v19;
	v15 =	vsel vm2, v15, v17;
	v17 =	vperm.xlane v63, v6  }
0x91: {  	vm5 =	veq.s32 v16, $0x5;
	v19 =	vsel vm6, v11, v19;
	v15 =	vsel vm3, v15, v18  }
0x92: {  	v18 =	vsel vm5, v12, v19;
	vm5 =	veq.s32 v16, $0x6;
	v15 =	vsel vm4, v15, v17  }
0x93: {  	v17 =	vsel vm5, v13, v18;
	vm5 =	veq.s32 v16, $0x7;
	v15 =	vmul.f32 $2.500000000e-01, v15  }
0x94: {  	v16 =	vsel vm5, v14, v17  }
0x95: {  	v15 =	vadd.f32 v15, v16;
	_ =	sdelay $0x1  }
0x96: {  	v15 =	vmul.f32 $1.442695020e+00, v15;
	_ =	sdelay $0x1  }
0x97: {  	(erf) = vpow2.f32 v15;
	_ =	sdelay $0x8  }
0x98: {  	v15 =	vpop (erf)  }
0x99: {  	s18 =	simm.s32 $0x3D20;
	v15 =	vnsel vm0, $0x0, v15  }
0x9a: {  	[tilespmem:s18+$0x20] =	vst v15  }
0x9b: {  	v16 =	vld [tilespmem:s16+$0x0];
	_ =	sdelay $0x2  }
0x9c: {  	s17 =	simm.s32 $0x4;
	s20 =	simm.s32 $0x15C0;
	v17 =	vperm.xlane v15, v2  }
0x9d: {  	s15 =	simm.s32 $0x15C0;
	s19 =	simm.s32 $0x160;
	s14 =	simm.s32 $0x3D70  }
0x9e: {  	s21 =	simm.s32 $0x3D70;
	s11 =	simm.s32 $0x8;
	s22 =	simm.s32 $0x160;
	v16 =	vmul.f32 v16, v17  }
.LBB2_5:
0x9f: {  	s21 =	sadd.s32 $0x50, s21;
	s20 =	sadd.s32 $0x80, s20;
	s22 =	sadd.s32 $0x40, s22  }
0xa0: {  	p0 =	sne.s32 s11, $0x13C;
	s23 =	smov.u32 s11;
	s11 =	sadd.s32 $0x4, s11;
	[tilespmem:s18+$0xFFFFFFE0] =	vst v16  }
0xa1: {  	v16 =	vld [tilespmem:s16+$0x10];
	_ =	sdelay $0x2  }
0xa2: {  	v17 =	vperm.xlane v15, v3;
	_ =	sdelay $0x1  }
0xa3: {  	v16 =	vmul.f32 v16, v17;
	_ =	sdelay $0x1  }
0xa4: {  	[tilespmem:s18+$0xFFFFFFF0] =	vst v16  }
0xa5: {  	v16 =	vld [tilespmem:s16+$0x20];
	_ =	sdelay $0x2  }
0xa6: {  	v17 =	vperm.xlane v15, v4;
	_ =	sdelay $0x1  }
0xa7: {  	v16 =	vmul.f32 v16, v17;
	_ =	sdelay $0x1  }
0xa8: {  	[tilespmem:s18+$0x0] =	vst v16  }
0xa9: {  	v16 =	vld [tilespmem:s16+$0x30];
	s16 =	smov.u32 s15;
	s15 =	smov.u32 s20;
	_ =	sdelay $0x2  }
0xaa: {  	v15 =	vperm.xlane v15, v5;
	_ =	sdelay $0x1  }
0xab: {  	v15 =	vmul.f32 v16, v15;
	_ =	sdelay $0x1  }
0xac: {  	[tilespmem:s18+$0x10] =	vst v15;
	s18 =	smov.u32 s14;
	s14 =	smov.u32 s21  }
0xad: {  	v15 =	vld [tilespmem:s19+$0xFFFFFFE0]  }
0xae: {  	v16 =	vld [tilespmem:s16+$0xFFFFFFC0]  }
0xaf: {  	v17 =	vld [tilespmem:s19+$0xFFFFFFF0]  }
0xb0: {  	v18 =	vld [tilespmem:s16+$0xFFFFFFE0]  }
0xb1: {  	v19 =	vld [tilespmem:s16+$0xFFFFFFD0]  }
0xb2: {  	v20 =	vld [tilespmem:s19+$0x0]  }
0xb3: {  	v15 =	vmul.f32 v16, v15  }
0xb4: {  	v16 =	vld [tilespmem:s16+$0xFFFFFFF0]  }
0xb5: {  	v21 =	vld [tilespmem:s19+$0x10];
	(xrf2) =	vadd.scan.msk.f32 $0xffff, v15;
	s19 =	smov.u32 s22  }
0xb6: {  	v15 =	vmul.f32 v19, v17  }
0xb7: {  	v17 =	vmul.f32 v18, v20  }
0xb8: {  	(xrf2) =	vadd.scan.msk.f32 $0xffff, v15;
	_ =	sdelay $0x1  }
0xb9: {  	v15 =	vmul.f32 v16, v21  }
0xba: {  	(xrf2) =	vadd.scan.msk.f32 $0xffff, v17;
	_ =	sdelay $0x1  }
0xbb: {  	s12 =	sshra.s32 s17, $0x2;
	s17 =	smov.u32 s23  }
0xbc: {  	v16 =	vld [tilespmem:s12+$0xA0];
	(xrf2) =	vadd.scan.msk.f32 $0xffff, v15  }
0xbd: {  	v15, _, _ =	vpop (xrf2)  }
0xbe: {  	v15 =	vperm.xlane v15, v6;
	_ =	sdelay $0x1  }
0xbf: {  	v17, _, _ =	vpop (xrf2)  }
0xc0: {  	v16 =	vperm.xlane v16, v2;
	v17 =	vperm.xlane v17, v6;
	_ =	sdelay $0x1  }
0xc1: {  	vm5 =	veq.s32 v16, $0x0;
	v18, _, _ =	vpop (xrf2)  }
0xc2: {  	v19 =	vnsel vm5, $0x0, v7;
	vm5 =	veq.s32 v16, $0x1;
	v18 =	vperm.xlane v18, v6  }
0xc3: {  	vm6 =	veq.s32 v16, $0x4;
	v19 =	vsel vm5, v8, v19;
	vm5 =	veq.s32 v16, $0x2  }
0xc4: {  	v15 =	vnsel vm1, $0x0, v15;
	v19 =	vsel vm5, v9, v19;
	vm5 =	veq.s32 v16, $0x3;
	v20, _, _ =	vpop (xrf2)  }
0xc5: {  	v15 =	vsel vm2, v15, v17;
	v19 =	vsel vm5, v10, v19;
	v17 =	vperm.xlane v20, v6  }
0xc6: {  	v15 =	vsel vm3, v15, v18;
	vm5 =	veq.s32 v16, $0x5;
	v19 =	vsel vm6, v11, v19  }
0xc7: {  	v18 =	vsel vm5, v12, v19;
	vm5 =	veq.s32 v16, $0x6;
	v15 =	vsel vm4, v15, v17  }
0xc8: {  	v17 =	vsel vm5, v13, v18;
	vm5 =	veq.s32 v16, $0x7;
	v15 =	vmul.f32 $2.500000000e-01, v15  }
0xc9: {  	v16 =	vsel vm5, v14, v17  }
0xca: {  	v15 =	vadd.f32 v15, v16;
	_ =	sdelay $0x1  }
0xcb: {  	v15 =	vmul.f32 $1.442695020e+00, v15;
	_ =	sdelay $0x1  }
0xcc: {  	(erf) = vpow2.f32 v15;
	_ =	sdelay $0x8  }
0xcd: {  	v15 =	vpop (erf)  }
0xce: {  	v15 =	vnsel vm0, $0x0, v15  }
0xcf: {  	[tilespmem:s18+$0x20] =	vst v15  }
0xd0: {  	v16 =	vld [tilespmem:s16+$0x0]  }
.Ltmp1:
0xd1: {  	(pc) =	sbr.rel @p0 .LBB2_5-.Ltmp1, $3  }
0xd2: {  	_ = 	snop  }
0xd3: {  	v17 =	vperm.xlane v15, v2;
	_ =	sdelay $0x1  }
0xd4: {  	v16 =	vmul.f32 v16, v17  }
0xd5: {  	_ = 	snop  }
0xd6: {  	[tilespmem:s18+$0xFFFFFFE0] =	vst v16  }
0xd7: {  	v16 =	vld [tilespmem:s16+$0x10];
	_ =	sdelay $0x2  }
0xd8: {  	v17 =	vperm.xlane v15, v3;
	_ =	sdelay $0x1  }
0xd9: {  	v16 =	vmul.f32 v16, v17;
	_ =	sdelay $0x1  }
0xda: {  	[tilespmem:s18+$0xFFFFFFF0] =	vst v16  }
0xdb: {  	v16 =	vld [tilespmem:s16+$0x20];
	_ =	sdelay $0x2  }
0xdc: {  	v45 =	vperm.xlane v15, v4;
	_ =	sdelay $0x1  }
0xdd: {  	v16 =	vmul.f32 v16, v45;
	_ =	sdelay $0x1  }
0xde: {  	[tilespmem:s18+$0x0] =	vst v16  }
0xdf: {  	v16 =	vld [tilespmem:s16+$0x30];
	_ =	sdelay $0x2  }
0xe0: {  	v15 =	vperm.xlane v15, v5;
	_ =	sdelay $0x1  }
0xe1: {  	v15 =	vmul.f32 v16, v15;
	_ =	sdelay $0x1  }
0xe2: {  	[tilespmem:s18+$0x10] =	vst v15  }
0xe3: {  	v15 =	vld [tilespmem:s19+$0xFFFFFFE0]  }
0xe4: {  	v46 =	vld [tilespmem:s15+$0xFFFFFFC0]  }
0xe5: {  	v47 =	vld [tilespmem:s19+$0xFFFFFFF0]  }
0xe6: {  	v18 =	vld [tilespmem:s15+$0xFFFFFFE0]  }
0xe7: {  	v19 =	vld [tilespmem:s15+$0xFFFFFFD0]  }
0xe8: {  	v20 =	vld [tilespmem:s19+$0x0]  }
0xe9: {  	v21 =	vld [tilespmem:s15+$0xFFFFFFF0]  }
0xea: {  	v48 =	vld [tilespmem:s19+$0x10]  }
0xeb: {  	v15 =	vmul.f32 v46, v15  }
0xec: {  	v17 =	vmul.f32 v19, v47  }
0xed: {  	(xrf2) =	vadd.scan.msk.f32 $0xffff, v15;
	v15 =	vmul.f32 v18, v20  }
0xee: {  	(xrf2) =	vadd.scan.msk.f32 $0xffff, v17  }
0xef: {  	s11 =	sshra.s32 s17, $0x2;
	(xrf2) =	vadd.scan.msk.f32 $0xffff, v15;
	v15 =	vmul.f32 v21, v48  }
0xf0: {  	v49 =	vld [tilespmem:s11+$0xA0]  }
0xf1: {  	(xrf2) =	vadd.scan.msk.f32 $0xffff, v15;
	_ =	sdelay $0x3  }
0xf2: {  	v16 =	vperm.xlane v49, v2;
	_ =	sdelay $0x1  }
0xf3: {  	vm5 =	veq.s32 v16, $0x0  }
0xf4: {  	v51 =	vnsel vm5, $0x0, v7;
	vm5 =	veq.s32 v16, $0x1;
	v15, _, _ =	vpop (xrf2)  }
0xf5: {  	v19 =	vsel vm5, v8, v51;
	vm5 =	veq.s32 v16, $0x2;
	v17, _, _ =	vpop (xrf2);
	v15 =	vperm.xlane v15, v6  }
0xf6: {  	vm6 =	veq.s32 v16, $0x4;
	v19 =	vsel vm5, v9, v19;
	v17 =	vperm.xlane v17, v6;
	v50, _, _ =	vpop (xrf2)  }
0xf7: {  	vm5 =	veq.s32 v16, $0x3;
	v18 =	vperm.xlane v50, v6;
	v15 =	vnsel vm1, $0x0, v15;
	v52, _, _ =	vpop (xrf2)  }
0xf8: {  	v19 =	vsel vm5, v10, v19;
	v15 =	vsel vm2, v15, v17;
	v53 =	vperm.xlane v52, v6  }
0xf9: {  	vm5 =	veq.s32 v16, $0x5;
	v19 =	vsel vm6, v11, v19;
	v15 =	vsel vm3, v15, v18  }
0xfa: {  	v54 =	vsel vm5, v12, v19;
	vm5 =	veq.s32 v16, $0x6;
	v15 =	vsel vm4, v15, v53  }
0xfb: {  	v55 =	vsel vm5, v13, v54;
	vm5 =	veq.s32 v16, $0x7;
	v15 =	vmul.f32 $2.500000000e-01, v15  }
0xfc: {  	v16 =	vsel vm5, v14, v55  }
0xfd: {  	v15 =	vadd.f32 v15, v16;
	_ =	sdelay $0x1  }
0xfe: {  	v15 =	vmul.f32 $1.442695020e+00, v15;
	_ =	sdelay $0x1  }
0xff: {  	(erf) = vpow2.f32 v15;
	_ =	sdelay $0x8  }
0x100: {  	v15 =	vpop (erf)  }
0x101: {  	v15 =	vnsel vm0, $0x0, v15  }
0x102: {  	[tilespmem:s14+$0x20] =	vst v15  }
0x103: {  	v56 =	vld [tilespmem:s15+$0x0];
	_ =	sdelay $0x2  }
0x104: {  	v57 =	vperm.xlane v15, v2;
	_ =	sdelay $0x1  }
0x105: {  	v16 =	vmul.f32 v56, v57;
	_ =	sdelay $0x1  }
0x106: {  	[tilespmem:s14+$0xFFFFFFE0] =	vst v16  }
0x107: {  	v16 =	vld [tilespmem:s15+$0x10];
	_ =	sdelay $0x2  }
0x108: {  	v58 =	vperm.xlane v15, v3;
	_ =	sdelay $0x1  }
0x109: {  	v16 =	vmul.f32 v16, v58;
	_ =	sdelay $0x1  }
0x10a: {  	[tilespmem:s14+$0xFFFFFFF0] =	vst v16  }
0x10b: {  	v16 =	vld [tilespmem:s15+$0x20];
	_ =	sdelay $0x2  }
0x10c: {  	v59 =	vperm.xlane v15, v4;
	_ =	sdelay $0x1  }
0x10d: {  	v16 =	vmul.f32 v16, v59;
	_ =	sdelay $0x1  }
0x10e: {  	[tilespmem:s14+$0x0] =	vst v16  }
0x10f: {  	v16 =	vld [tilespmem:s15+$0x30];
	_ =	sdelay $0x2  }
0x110: {  	v15 =	vperm.xlane v15, v5;
	_ =	sdelay $0x1  }
0x111: {  	v15 =	vmul.f32 v16, v15;
	_ =	sdelay $0x1  }
0x112: {  	[tilespmem:s14+$0x10] =	vst v15  }
0x113: {  	v15 =	vld [tilespmem:$0x50]  }
0x114: {  	v60 =	vld [tilespmem:$0x60]  }
0x115: {  	v61 =	vld [tilespmem:$0x70]  }
0x116: {  	v62 =	vld [tilespmem:$0x80]  }
0x117: {  	v63 =	vld [tilespmem:$0x90]  }
0x118: {  	v15 =	vsub.s32 v15, v0  }
0x119: {  	[tilespmem:$0x50] =	vst v15;
	v15 =	vsub.s32 v60, v0  }
0x11a: {  	[tilespmem:$0x60] =	vst v15;
	v15 =	vsub.s32 v61, v0  }
0x11b: {  	s13 =	sadd.s32 $0x1, s13;
	[tilespmem:$0x70] =	vst v15;
	v15 =	vsub.s32 v62, v0  }
0x11c: {  	p0 =	sne.s32 s13, $0xFA;
	[tilespmem:$0x80] =	vst v15;
	v15 =	vsub.s32 v63, v0  }
.Ltmp2:
0x11d: {  	[tilespmem:$0x90] =	vst v15;
	(pc) =	sbr.rel @p0 .LBB2_4-.Ltmp2, $4  }
0x11e: {  	[spmem:s3] =	stream.indirect.scatter.add.f32 [tilespmem:s4], [sflag:$0x3], $0x50, s26, s26, $0xb8;
	[tilespmem:$0x13790] =	vst v63  }
0x11f: {  	_ =	swait.ge [sflag:s24], $0x1900  }
0x120: {  	[sflag:s24] =	ssyncset.done $0x0  }
0x121: {  	[sflag:s24] =	ssyncadd.s32 $0xFFFFE700  }
0x122: {  	[bflag:$0x0] =	sbarrier.arrive $0xFFFF  }
0x123: {  	s14 =	rddreg [dreg:$0x6]  }
0x124: {  	[tilespmem:s25], [sflag:$0x3] =	stream.linear.gather [spmem:s14], $0x1900, $0x38;
	[tilespmem:$0x13790] =	vst v63  }
0x125: {  	_ =	swait.ge [sflag:s24], $0x1900  }
0x126: {  	s9 =	rddreg [dreg:$0xf]  }
0x127: {  	p0 =	sne.s32 s9, $0x1  }
.Ltmp3:
0x128: {  	[sflag:s24] =	ssyncset.done $0x0;
	(pc) =	sbr.rel @!p0 .LBB2_9-.Ltmp3, $4  }
0x129: {  	s11 =	rddreg [dreg:$0x11];
	[sflag:s24] =	ssyncadd.s32 $0xFFFFE700  }
0x12a: {  	[hbm4b:s11+s5] =	stream.linear.scatter [tilespmem:s25], [sflag:$0x3], $0x1900, $0x38;
	[tilespmem:$0x13790] =	vst v63  }
0x12b: {  	_ =	swait.ge [sflag:s24], $0x1900  }
0x12c: {  	s13 =	smov.u32 s14;
	s9 =	sadd.s32 $0xFFFFFFFF, s9;
	[sflag:s24] =	ssyncset.done $0x0  }
.LBB2_8:
0x12d: {  	[sflag:s24] =	ssyncadd.s32 $0xFFFFE700;
	s11 =	sadd.s32 $0x320, s11;
	s13 =	sadd.s32 $0x1900, s13  }
0x12e: {  	[tilespmem:s25], [sflag:$0x3] =	stream.linear.gather [spmem:s13], $0x1900, $0x38;
	[tilespmem:$0x13790] =	vst v63  }
0x12f: {  	p0 =	sne.s32 s9, $0x1;
	s9 =	sadd.s32 $0xFFFFFFFF, s9;
	_ =	swait.ge [sflag:s24], $0x1900  }
.Ltmp4:
0x130: {  	[sflag:s24] =	ssyncset.done $0x0;
	(pc) =	sbr.rel @p0 .LBB2_8-.Ltmp4, $4  }
0x131: {  	[sflag:s24] =	ssyncadd.s32 $0xFFFFE700  }
0x132: {  	[hbm4b:s11+s5] =	stream.linear.scatter [tilespmem:s25], [sflag:$0x3], $0x1900, $0x38;
	[tilespmem:$0x13790] =	vst v63  }
0x133: {  	_ =	swait.ge [sflag:s24], $0x1900  }
0x134: {  	[sflag:s24] =	ssyncset.done $0x0  }
.LBB2_9:
0x135: {  	s11 =	rddreg [dreg:$0x12]  }
0x136: {  	s9 =	rddreg [dreg:$0x10];
	s11 =	sadd.s32 $0x1, s11  }
0x137: {  	p0 =	sne.s32 s11, s9  }
.Ltmp5:
0x138: {  	_ = 	snop;
	(pc) =	sbr.rel @p0 .LBB2_1-.Ltmp5, $2  }
0x139: {  	_ =	sdelay $0x2  }
0x13a: {  	[sflag:s24] =	ssyncadd.s32 $0xFFFFE700  }
0x13b: {  	_ =	sfence.sel $0x180000  }
0x13c: {  	[bflag:$0x0] =	sbarrier.arrive $0xFFFF  }
0x13d: {  	_ =	strace $0x90000047  }
0x13e: {  	s0 =	stileid.u32;
	[bflag:$0x2] =	sbarrier.arrive $0xFFFF  }
0x13f: {  	p0 =	sne.s32 s0, $0x0;
	s0 =	rddreg [dreg:$0x4]  }
0x140: {  	s0 =	sadd.s32 @!p0 $0x100000, s0  }
0x141: {  	[sflag:s0] =	ssyncadd.tile.s32 @!p0 $0x1;
	_ =	shalt  }
.Lfunc_end2:
_tile_overlayer_lowered:
.L_overlay_start_2:
0x142: {  	(tag) =	ssettag $0x2  }
0x143: {  	s0 =	rddreg [dreg:$0x0];
	s2 =	stileid.u32  }
0x144: {  	s1 =	rddreg [dreg:$0x1];
	p0 =	sne.s32 s2, $0x0  }
0x145: {  	s3 =	rddreg [dreg:$0x2];
	[bflag:$0x3] =	sbarrier.arrive $0xFFFF;
	s2 =	simm.s32 @!p0 $0x1C03  }
0x146: {  	[timem:s3], [sflag:s2] =	dma.local @!p0 [hbm:s0], s1  }
0x147: {  	s0 =	simm.s32 @!p0 $0x3  }
0x148: {  	_ =	swait.ge @!p0 [sflag:s0], s1  }
0x149: {  	s1 =	ssub.s32 @!p0 $0x0, s1;
	[sflag:s0] =	ssyncset.done @!p0 $0x0  }
0x14a: {  	[sflag:s0] =	ssyncadd.s32 @!p0 s1  }
0x14b: {  	[bflag:$0x3] =	sbarrier.arrive $0xFFFF  }
0x14c: {  	_ =	shalt  }

</sc_bundles>
